<compile_context>
chip_gen: v7x
topology: tpu7x:2x2x1
jax: 0.10.2.dev20260603
libtpu: 0.0.44.dev20260713+nightly
codegen_flags: <defaults>
</compile_context>

<pallas_src>
import functools

import jax
import jax.numpy as jnp
from jax import lax
from jax.experimental import pallas as pl
from jax.experimental.pallas import tpu as pltpu
from jax.experimental.pallas import tpu_sc as plsc

NUM_CLASSES = 1000000
HIDDEN = 64
BATCH = 16384

_NC = 2
_NS = 16
_NW = _NC * _NS
_B_PER_W = BATCH // _NW
_K = 16


@functools.partial(
    pl.kernel,
    out_type=jax.ShapeDtypeStruct((BATCH, HIDDEN), jnp.float32),
    mesh=plsc.VectorSubcoreMesh(core_axis_name="c", subcore_axis_name="s"),
    scratch_types=[
        pltpu.VMEM((_B_PER_W,), jnp.int32),
        pltpu.VMEM((_B_PER_W, HIDDEN), jnp.float32),
        pltpu.SemaphoreType.DMA,
    ],
    compiler_params=pltpu.CompilerParams(use_tc_tiling_on_sc=True),
)
def _gather_kernel(idx_hbm, table_hbm, out_hbm, idx_v, rows_v, sem):
    wid = lax.axis_index("s") * _NC + lax.axis_index("c")
    base = wid * _B_PER_W
    pltpu.sync_copy(idx_hbm.at[pl.ds(base, _B_PER_W)], idx_v)

    def group(g, _):
        start = g * _K
        labs = idx_v[pl.ds(start, _K)]
        for j in range(_K):
            pltpu.make_async_copy(
                table_hbm.at[pl.ds(labs[j], 1), :],
                rows_v.at[pl.ds(start + j, 1), :],
                sem,
            ).start()
        for j in range(_K):
            pltpu.make_async_copy(
                table_hbm.at[pl.ds(0, 1), :],
                rows_v.at[pl.ds(start + j, 1), :],
                sem,
            ).wait()
        return _

    lax.fori_loop(0, _B_PER_W // _K, group, 0)
    pltpu.sync_copy(rows_v, out_hbm.at[pl.ds(base, _B_PER_W)])


def kernel(labels, embedding_table):
    idx = jnp.minimum(labels.astype(jnp.int32), jnp.int32(NUM_CLASSES))
    return _gather_kernel(idx, embedding_table)

# --- scband reference (transcript-rebuilt; emitter-appended) ---
"""Pipeline reference for scband-label-embedder-31705448579179 (READ-ONLY COPY).

The authoritative reference and input builder live on the scoring server;
editing this copy changes nothing except your own understanding.
"""

import jax, jax.numpy as jnp
import numpy as np

NUM_CLASSES = 1000000
HIDDEN_SIZE = 64
BATCH = 16384

def setup_inputs(seed: int = 0) -> dict:
    key = jax.random.key(seed)
    k_lab, k_tab = jax.random.split(key)
    labels = jax.random.randint(k_lab, (BATCH,), 0, NUM_CLASSES + 1, dtype=jnp.int64 if jax.config.jax_enable_x64 else jnp.int32)
    embedding_table = jax.random.normal(k_tab, (NUM_CLASSES + 1, HIDDEN_SIZE), dtype=jnp.float32) * 0.02
    return {"labels": labels, "embedding_table": embedding_table}

def reference(labels, embedding_table):
    # Faithful translation of LabelEmbedder.__call__: gather rows of the table.
    return jnp.take(embedding_table, labels, axis=0)

if __name__ == "__main__":
    import jax
    _d = setup_inputs()
    print(jax.jit(kernel)(*tuple(_d.values())))

</pallas_src>

<mosaic_0001>
#map = affine_map<(d0, d1) -> (0)>
#map1 = affine_map<(d0, d1) -> (0, 0)>
module attributes {stable_mosaic.version = 14 : i64} {
  func.func @_gather_kernel(%arg0: i32, %arg1: i32, %arg2: memref<16384xi32, #tpu.memory_space<hbm>>, %arg3: memref<1000001x64xf32, #tpu.memory_space<hbm>>, %arg4: memref<16384x64xf32, #tpu.memory_space<hbm>>, %arg5: memref<512xi32, #tpu.memory_space<vmem>>, %arg6: memref<512x64xf32, #tpu.memory_space<vmem>>, %arg7: memref<!tpu.dma_semaphore, #tpu.memory_space<semaphore_mem>>) attributes {dimension_semantics = [#tpu.dimension_semantics<core_parallel>, #tpu.dimension_semantics<subcore_parallel>], iteration_bounds = array<i64: 2, 16>, scalar_prefetch = 0 : i64, scratch_operands = 3 : i64, tpu.core_type = #tpu.core_type<sc_vector_subcore>, window_params = [{transform_indices = #map}, {transform_indices = #map1}, {transform_indices = #map1}]} {
    %mul3A = arith.constant 2 : i32
    %mul3A_0 = arith.muli %arg1, %mul3A : i32
    %add3A = arith.addi %mul3A_0, %arg0 : i32
    %mul3A_1 = arith.constant 512 : i32
    %mul3A_2 = arith.muli %add3A, %mul3A_1 : i32
    "tpu.region"() ({
      %run_scoped3A = tpu.sem_alloc : memref<!tpu.dma_semaphore, #tpu.memory_space<semaphore_mem>>
      %dma_start3A = tpu.memref_slice %arg2[%mul3A_2] : memref<16384xi32, #tpu.memory_space<hbm>> -> memref<512xi32, #tpu.memory_space<hbm>>
      %dma_start3A_8 = tpu.memref_slice %arg2[%mul3A_2] : memref<16384xi32, #tpu.memory_space<hbm>> -> memref<512xi32, #tpu.memory_space<hbm>>
      tpu.enqueue_dma source(%dma_start3A_8 : memref<512xi32, #tpu.memory_space<hbm>>) target(%arg5 : memref<512xi32, #tpu.memory_space<vmem>>) target_semaphore(%run_scoped3A : memref<!tpu.dma_semaphore, #tpu.memory_space<semaphore_mem>>)
      %dma_wait3A = tpu.memref_slice %arg2[%mul3A_2] : memref<16384xi32, #tpu.memory_space<hbm>> -> memref<512xi32, #tpu.memory_space<hbm>>
      %dma_wait3A_9 = tpu.memref_slice %arg2[%mul3A_2] : memref<16384xi32, #tpu.memory_space<hbm>> -> memref<512xi32, #tpu.memory_space<hbm>>
      tpu.wait_dma2 semaphore(%run_scoped3A : memref<!tpu.dma_semaphore, #tpu.memory_space<semaphore_mem>>) src(%dma_wait3A_9 : memref<512xi32, #tpu.memory_space<hbm>>) dst(%arg5 : memref<512xi32, #tpu.memory_space<vmem>>)
      tpu.yield
    }) : () -> ()
    %scan3A = arith.constant 0 : i32
    %scan3A_3 = arith.constant 0 : i32
    %scan3A_4 = arith.constant 32 : i32
    %scan3A_5 = arith.addi %scan3A_3, %scan3A_4 : i32
    %scan3A_6 = arith.constant 1 : i32
    scf.for %scan3A_8 = %scan3A_3 to %scan3A_5 step %scan3A_6  : i32 {
      %mul3A_9 = arith.constant 16 : i32
      %mul3A_10 = arith.muli %scan3A_8, %mul3A_9 : i32
      %get3A = arith.index_cast %mul3A_10 : i32 to index
      %get3A_11 = tpu.vector_load %arg5[%get3A] {strides = array<i32>} : memref<512xi32, #tpu.memory_space<vmem>>, vector<16xi32>,
      %get3A_12 = vector.shape_cast %get3A_11 : vector<16xi32> to vector<16xi32>
      %slice3A = vector.extract_strided_slice %get3A_12 {offsets = [0], sizes = [1], strides = [1]} : vector<16xi32> to vector<1xi32>
      %squeeze3A = vector.extract %slice3A[0] : i32 from vector<1xi32>
      %add3A_13 = arith.constant 0 : i32
      %add3A_14 = arith.addi %mul3A_10, %add3A_13 : i32
      %dma_start3A = arith.constant 0 : i32
      %dma_start3A_15 = tpu.memref_slice %arg6[%add3A_14, %dma_start3A] : memref<512x64xf32, #tpu.memory_space<vmem>> -> memref<1x64xf32, #tpu.memory_space<vmem>>
      %dma_start3A_16 = arith.constant 0 : i32
      %dma_start3A_17 = tpu.memref_slice %arg3[%squeeze3A, %dma_start3A_16] : memref<1000001x64xf32, #tpu.memory_space<hbm>> -> memref<1x64xf32, #tpu.memory_space<hbm>>
      %dma_start3A_18 = arith.constant 0 : i32
      %dma_start3A_19 = tpu.memref_slice %arg6[%add3A_14, %dma_start3A_18] : memref<512x64xf32, #tpu.memory_space<vmem>> -> memref<1x64xf32, #tpu.memory_space<vmem>>
      %dma_start3A_20 = arith.constant 0 : i32
      %dma_start3A_21 = tpu.memref_slice %arg3[%squeeze3A, %dma_start3A_20] : memref<1000001x64xf32, #tpu.memory_space<hbm>> -> memref<1x64xf32, #tpu.memory_space<hbm>>
      tpu.enqueue_dma source(%dma_start3A_21 : memref<1x64xf32, #tpu.memory_space<hbm>>) target(%dma_start3A_19 : memref<1x64xf32, #tpu.memory_space<vmem>>) target_semaphore(%arg7 : memref<!tpu.dma_semaphore, #tpu.memory_space<semaphore_mem>>)
      %slice3A_22 = vector.extract_strided_slice %get3A_12 {offsets = [1], sizes = [1], strides = [1]} : vector<16xi32> to vector<1xi32>
      %squeeze3A_23 = vector.extract %slice3A_22[0] : i32 from vector<1xi32>
      %add3A_24 = arith.constant 1 : i32
      %add3A_25 = arith.addi %mul3A_10, %add3A_24 : i32
      %dma_start3A_26 = arith.constant 0 : i32
      %dma_start3A_27 = tpu.memref_slice %arg6[%add3A_25, %dma_start3A_26] : memref<512x64xf32, #tpu.memory_space<vmem>> -> memref<1x64xf32, #tpu.memory_space<vmem>>
      %dma_start3A_28 = arith.constant 0 : i32
      %dma_start3A_29 = tpu.memref_slice %arg3[%squeeze3A_23, %dma_start3A_28] : memref<1000001x64xf32, #tpu.memory_space<hbm>> -> memref<1x64xf32, #tpu.memory_space<hbm>>
      %dma_start3A_30 = arith.constant 0 : i32
      %dma_start3A_31 = tpu.memref_slice %arg6[%add3A_25, %dma_start3A_30] : memref<512x64xf32, #tpu.memory_space<vmem>> -> memref<1x64xf32, #tpu.memory_space<vmem>>
      %dma_start3A_32 = arith.constant 0 : i32
      %dma_start3A_33 = tpu.memref_slice %arg3[%squeeze3A_23, %dma_start3A_32] : memref<1000001x64xf32, #tpu.memory_space<hbm>> -> memref<1x64xf32, #tpu.memory_space<hbm>>
      tpu.enqueue_dma source(%dma_start3A_33 : memref<1x64xf32, #tpu.memory_space<hbm>>) target(%dma_start3A_31 : memref<1x64xf32, #tpu.memory_space<vmem>>) target_semaphore(%arg7 : memref<!tpu.dma_semaphore, #tpu.memory_space<semaphore_mem>>)
      %slice3A_34 = vector.extract_strided_slice %get3A_12 {offsets = [2], sizes = [1], strides = [1]} : vector<16xi32> to vector<1xi32>
      %squeeze3A_35 = vector.extract %slice3A_34[0] : i32 from vector<1xi32>
      %add3A_36 = arith.constant 2 : i32
      %add3A_37 = arith.addi %mul3A_10, %add3A_36 : i32
      %dma_start3A_38 = arith.constant 0 : i32
      %dma_start3A_39 = tpu.memref_slice %arg6[%add3A_37, %dma_start3A_38] : memref<512x64xf32, #tpu.memory_space<vmem>> -> memref<1x64xf32, #tpu.memory_space<vmem>>
      %dma_start3A_40 = arith.constant 0 : i32
      %dma_start3A_41 = tpu.memref_slice %arg3[%squeeze3A_35, %dma_start3A_40] : memref<1000001x64xf32, #tpu.memory_space<hbm>> -> memref<1x64xf32, #tpu.memory_space<hbm>>
      %dma_start3A_42 = arith.constant 0 : i32
      %dma_start3A_43 = tpu.memref_slice %arg6[%add3A_37, %dma_start3A_42] : memref<512x64xf32, #tpu.memory_space<vmem>> -> memref<1x64xf32, #tpu.memory_space<vmem>>
      %dma_start3A_44 = arith.constant 0 : i32
      %dma_start3A_45 = tpu.memref_slice %arg3[%squeeze3A_35, %dma_start3A_44] : memref<1000001x64xf32, #tpu.memory_space<hbm>> -> memref<1x64xf32, #tpu.memory_space<hbm>>
      tpu.enqueue_dma source(%dma_start3A_45 : memref<1x64xf32, #tpu.memory_space<hbm>>) target(%dma_start3A_43 : memref<1x64xf32, #tpu.memory_space<vmem>>) target_semaphore(%arg7 : memref<!tpu.dma_semaphore, #tpu.memory_space<semaphore_mem>>)
      %slice3A_46 = vector.extract_strided_slice %get3A_12 {offsets = [3], sizes = [1], strides = [1]} : vector<16xi32> to vector<1xi32>
      %squeeze3A_47 = vector.extract %slice3A_46[0] : i32 from vector<1xi32>
      %add3A_48 = arith.constant 3 : i32
      %add3A_49 = arith.addi %mul3A_10, %add3A_48 : i32
      %dma_start3A_50 = arith.constant 0 : i32
      %dma_start3A_51 = tpu.memref_slice %arg6[%add3A_49, %dma_start3A_50] : memref<512x64xf32, #tpu.memory_space<vmem>> -> memref<1x64xf32, #tpu.memory_space<vmem>>
      %dma_start3A_52 = arith.constant 0 : i32
      %dma_start3A_53 = tpu.memref_slice %arg3[%squeeze3A_47, %dma_start3A_52] : memref<1000001x64xf32, #tpu.memory_space<hbm>> -> memref<1x64xf32, #tpu.memory_space<hbm>>
      %dma_start3A_54 = arith.constant 0 : i32
      %dma_start3A_55 = tpu.memref_slice %arg6[%add3A_49, %dma_start3A_54] : memref<512x64xf32, #tpu.memory_space<vmem>> -> memref<1x64xf32, #tpu.memory_space<vmem>>
      %dma_start3A_56 = arith.constant 0 : i32
      %dma_start3A_57 = tpu.memref_slice %arg3[%squeeze3A_47, %dma_start3A_56] : memref<1000001x64xf32, #tpu.memory_space<hbm>> -> memref<1x64xf32, #tpu.memory_space<hbm>>
      tpu.enqueue_dma source(%dma_start3A_57 : memref<1x64xf32, #tpu.memory_space<hbm>>) target(%dma_start3A_55 : memref<1x64xf32, #tpu.memory_space<vmem>>) target_semaphore(%arg7 : memref<!tpu.dma_semaphore, #tpu.memory_space<semaphore_mem>>)
      %slice3A_58 = vector.extract_strided_slice %get3A_12 {offsets = [4], sizes = [1], strides = [1]} : vector<16xi32> to vector<1xi32>
      %squeeze3A_59 = vector.extract %slice3A_58[0] : i32 from vector<1xi32>
      %add3A_60 = arith.constant 4 : i32
      %add3A_61 = arith.addi %mul3A_10, %add3A_60 : i32
      %dma_start3A_62 = arith.constant 0 : i32
      %dma_start3A_63 = tpu.memref_slice %arg6[%add3A_61, %dma_start3A_62] : memref<512x64xf32, #tpu.memory_space<vmem>> -> memref<1x64xf32, #tpu.memory_space<vmem>>
      %dma_start3A_64 = arith.constant 0 : i32
      %dma_start3A_65 = tpu.memref_slice %arg3[%squeeze3A_59, %dma_start3A_64] : memref<1000001x64xf32, #tpu.memory_space<hbm>> -> memref<1x64xf32, #tpu.memory_space<hbm>>
      %dma_start3A_66 = arith.constant 0 : i32
      %dma_start3A_67 = tpu.memref_slice %arg6[%add3A_61, %dma_start3A_66] : memref<512x64xf32, #tpu.memory_space<vmem>> -> memref<1x64xf32, #tpu.memory_space<vmem>>
      %dma_start3A_68 = arith.constant 0 : i32
      %dma_start3A_69 = tpu.memref_slice %arg3[%squeeze3A_59, %dma_start3A_68] : memref<1000001x64xf32, #tpu.memory_space<hbm>> -> memref<1x64xf32, #tpu.memory_space<hbm>>
      tpu.enqueue_dma source(%dma_start3A_69 : memref<1x64xf32, #tpu.memory_space<hbm>>) target(%dma_start3A_67 : memref<1x64xf32, #tpu.memory_space<vmem>>) target_semaphore(%arg7 : memref<!tpu.dma_semaphore, #tpu.memory_space<semaphore_mem>>)
      %slice3A_70 = vector.extract_strided_slice %get3A_12 {offsets = [5], sizes = [1], strides = [1]} : vector<16xi32> to vector<1xi32>
      %squeeze3A_71 = vector.extract %slice3A_70[0] : i32 from vector<1xi32>
      %add3A_72 = arith.constant 5 : i32
      %add3A_73 = arith.addi %mul3A_10, %add3A_72 : i32
      %dma_start3A_74 = arith.constant 0 : i32
      %dma_start3A_75 = tpu.memref_slice %arg6[%add3A_73, %dma_start3A_74] : memref<512x64xf32, #tpu.memory_space<vmem>> -> memref<1x64xf32, #tpu.memory_space<vmem>>
      %dma_start3A_76 = arith.constant 0 : i32
      %dma_start3A_77 = tpu.memref_slice %arg3[%squeeze3A_71, %dma_start3A_76] : memref<1000001x64xf32, #tpu.memory_space<hbm>> -> memref<1x64xf32, #tpu.memory_space<hbm>>
      %dma_start3A_78 = arith.constant 0 : i32
      %dma_start3A_79 = tpu.memref_slice %arg6[%add3A_73, %dma_start3A_78] : memref<512x64xf32, #tpu.memory_space<vmem>> -> memref<1x64xf32, #tpu.memory_space<vmem>>
      %dma_start3A_80 = arith.constant 0 : i32
      %dma_start3A_81 = tpu.memref_slice %arg3[%squeeze3A_71, %dma_start3A_80] : memref<1000001x64xf32, #tpu.memory_space<hbm>> -> memref<1x64xf32, #tpu.memory_space<hbm>>
      tpu.enqueue_dma source(%dma_start3A_81 : memref<1x64xf32, #tpu.memory_space<hbm>>) target(%dma_start3A_79 : memref<1x64xf32, #tpu.memory_space<vmem>>) target_semaphore(%arg7 : memref<!tpu.dma_semaphore, #tpu.memory_space<semaphore_mem>>)
      %slice3A_82 = vector.extract_strided_slice %get3A_12 {offsets = [6], sizes = [1], strides = [1]} : vector<16xi32> to vector<1xi32>
      %squeeze3A_83 = vector.extract %slice3A_82[0] : i32 from vector<1xi32>
      %add3A_84 = arith.constant 6 : i32
      %add3A_85 = arith.addi %mul3A_10, %add3A_84 : i32
      %dma_start3A_86 = arith.constant 0 : i32
      %dma_start3A_87 = tpu.memref_slice %arg6[%add3A_85, %dma_start3A_86] : memref<512x64xf32, #tpu.memory_space<vmem>> -> memref<1x64xf32, #tpu.memory_space<vmem>>
      %dma_start3A_88 = arith.constant 0 : i32
      %dma_start3A_89 = tpu.memref_slice %arg3[%squeeze3A_83, %dma_start3A_88] : memref<1000001x64xf32, #tpu.memory_space<hbm>> -> memref<1x64xf32, #tpu.memory_space<hbm>>
      %dma_start3A_90 = arith.constant 0 : i32
      %dma_start3A_91 = tpu.memref_slice %arg6[%add3A_85, %dma_start3A_90] : memref<512x64xf32, #tpu.memory_space<vmem>> -> memref<1x64xf32, #tpu.memory_space<vmem>>
      %dma_start3A_92 = arith.constant 0 : i32
      %dma_start3A_93 = tpu.memref_slice %arg3[%squeeze3A_83, %dma_start3A_92] : memref<1000001x64xf32, #tpu.memory_space<hbm>> -> memref<1x64xf32, #tpu.memory_space<hbm>>
      tpu.enqueue_dma source(%dma_start3A_93 : memref<1x64xf32, #tpu.memory_space<hbm>>) target(%dma_start3A_91 : memref<1x64xf32, #tpu.memory_space<vmem>>) target_semaphore(%arg7 : memref<!tpu.dma_semaphore, #tpu.memory_space<semaphore_mem>>)
      %slice3A_94 = vector.extract_strided_slice %get3A_12 {offsets = [7], sizes = [1], strides = [1]} : vector<16xi32> to vector<1xi32>
      %squeeze3A_95 = vector.extract %slice3A_94[0] : i32 from vector<1xi32>
      %add3A_96 = arith.constant 7 : i32
      %add3A_97 = arith.addi %mul3A_10, %add3A_96 : i32
      %dma_start3A_98 = arith.constant 0 : i32
      %dma_start3A_99 = tpu.memref_slice %arg6[%add3A_97, %dma_start3A_98] : memref<512x64xf32, #tpu.memory_space<vmem>> -> memref<1x64xf32, #tpu.memory_space<vmem>>
      %dma_start3A_100 = arith.constant 0 : i32
      %dma_start3A_101 = tpu.memref_slice %arg3[%squeeze3A_95, %dma_start3A_100] : memref<1000001x64xf32, #tpu.memory_space<hbm>> -> memref<1x64xf32, #tpu.memory_space<hbm>>
      %dma_start3A_102 = arith.constant 0 : i32
      %dma_start3A_103 = tpu.memref_slice %arg6[%add3A_97, %dma_start3A_102] : memref<512x64xf32, #tpu.memory_space<vmem>> -> memref<1x64xf32, #tpu.memory_space<vmem>>
      %dma_start3A_104 = arith.constant 0 : i32
      %dma_start3A_105 = tpu.memref_slice %arg3[%squeeze3A_95, %dma_start3A_104] : memref<1000001x64xf32, #tpu.memory_space<hbm>> -> memref<1x64xf32, #tpu.memory_space<hbm>>
      tpu.enqueue_dma source(%dma_start3A_105 : memref<1x64xf32, #tpu.memory_space<hbm>>) target(%dma_start3A_103 : memref<1x64xf32, #tpu.memory_space<vmem>>) target_semaphore(%arg7 : memref<!tpu.dma_semaphore, #tpu.memory_space<semaphore_mem>>)
      %slice3A_106 = vector.extract_strided_slice %get3A_12 {offsets = [8], sizes = [1], strides = [1]} : vector<16xi32> to vector<1xi32>
      %squeeze3A_107 = vector.extract %slice3A_106[0] : i32 from vector<1xi32>
      %add3A_108 = arith.constant 8 : i32
      %add3A_109 = arith.addi %mul3A_10, %add3A_108 : i32
      %dma_start3A_110 = arith.constant 0 : i32
      %dma_start3A_111 = tpu.memref_slice %arg6[%add3A_109, %dma_start3A_110] : memref<512x64xf32, #tpu.memory_space<vmem>> -> memref<1x64xf32, #tpu.memory_space<vmem>>
      %dma_start3A_112 = arith.constant 0 : i32
      %dma_start3A_113 = tpu.memref_slice %arg3[%squeeze3A_107, %dma_start3A_112] : memref<1000001x64xf32, #tpu.memory_space<hbm>> -> memref<1x64xf32, #tpu.memory_space<hbm>>
      %dma_start3A_114 = arith.constant 0 : i32
      %dma_start3A_115 = tpu.memref_slice %arg6[%add3A_109, %dma_start3A_114] : memref<512x64xf32, #tpu.memory_space<vmem>> -> memref<1x64xf32, #tpu.memory_space<vmem>>
      %dma_start3A_116 = arith.constant 0 : i32
      %dma_start3A_117 = tpu.memref_slice %arg3[%squeeze3A_107, %dma_start3A_116] : memref<1000001x64xf32, #tpu.memory_space<hbm>> -> memref<1x64xf32, #tpu.memory_space<hbm>>
      tpu.enqueue_dma source(%dma_start3A_117 : memref<1x64xf32, #tpu.memory_space<hbm>>) target(%dma_start3A_115 : memref<1x64xf32, #tpu.memory_space<vmem>>) target_semaphore(%arg7 : memref<!tpu.dma_semaphore, #tpu.memory_space<semaphore_mem>>)
      %slice3A_118 = vector.extract_strided_slice %get3A_12 {offsets = [9], sizes = [1], strides = [1]} : vector<16xi32> to vector<1xi32>
      %squeeze3A_119 = vector.extract %slice3A_118[0] : i32 from vector<1xi32>
      %add3A_120 = arith.constant 9 : i32
      %add3A_121 = arith.addi %mul3A_10, %add3A_120 : i32
      %dma_start3A_122 = arith.constant 0 : i32
      %dma_start3A_123 = tpu.memref_slice %arg6[%add3A_121, %dma_start3A_122] : memref<512x64xf32, #tpu.memory_space<vmem>> -> memref<1x64xf32, #tpu.memory_space<vmem>>
      %dma_start3A_124 = arith.constant 0 : i32
      %dma_start3A_125 = tpu.memref_slice %arg3[%squeeze3A_119, %dma_start3A_124] : memref<1000001x64xf32, #tpu.memory_space<hbm>> -> memref<1x64xf32, #tpu.memory_space<hbm>>
      %dma_start3A_126 = arith.constant 0 : i32
      %dma_start3A_127 = tpu.memref_slice %arg6[%add3A_121, %dma_start3A_126] : memref<512x64xf32, #tpu.memory_space<vmem>> -> memref<1x64xf32, #tpu.memory_space<vmem>>
      %dma_start3A_128 = arith.constant 0 : i32
      %dma_start3A_129 = tpu.memref_slice %arg3[%squeeze3A_119, %dma_start3A_128] : memref<1000001x64xf32, #tpu.memory_space<hbm>> -> memref<1x64xf32, #tpu.memory_space<hbm>>
      tpu.enqueue_dma source(%dma_start3A_129 : memref<1x64xf32, #tpu.memory_space<hbm>>) target(%dma_start3A_127 : memref<1x64xf32, #tpu.memory_space<vmem>>) target_semaphore(%arg7 : memref<!tpu.dma_semaphore, #tpu.memory_space<semaphore_mem>>)
      %slice3A_130 = vector.extract_strided_slice %get3A_12 {offsets = [10], sizes = [1], strides = [1]} : vector<16xi32> to vector<1xi32>
      %squeeze3A_131 = vector.extract %slice3A_130[0] : i32 from vector<1xi32>
      %add3A_132 = arith.constant 10 : i32
      %add3A_133 = arith.addi %mul3A_10, %add3A_132 : i32
      %dma_start3A_134 = arith.constant 0 : i32
      %dma_start3A_135 = tpu.memref_slice %arg6[%add3A_133, %dma_start3A_134] : memref<512x64xf32, #tpu.memory_space<vmem>> -> memref<1x64xf32, #tpu.memory_space<vmem>>
      %dma_start3A_136 = arith.constant 0 : i32
      %dma_start3A_137 = tpu.memref_slice %arg3[%squeeze3A_131, %dma_start3A_136] : memref<1000001x64xf32, #tpu.memory_space<hbm>> -> memref<1x64xf32, #tpu.memory_space<hbm>>
      %dma_start3A_138 = arith.constant 0 : i32
      %dma_start3A_139 = tpu.memref_slice %arg6[%add3A_133, %dma_start3A_138] : memref<512x64xf32, #tpu.memory_space<vmem>> -> memref<1x64xf32, #tpu.memory_space<vmem>>
      %dma_start3A_140 = arith.constant 0 : i32
      %dma_start3A_141 = tpu.memref_slice %arg3[%squeeze3A_131, %dma_start3A_140] : memref<1000001x64xf32, #tpu.memory_space<hbm>> -> memref<1x64xf32, #tpu.memory_space<hbm>>
      tpu.enqueue_dma source(%dma_start3A_141 : memref<1x64xf32, #tpu.memory_space<hbm>>) target(%dma_start3A_139 : memref<1x64xf32, #tpu.memory_space<vmem>>) target_semaphore(%arg7 : memref<!tpu.dma_semaphore, #tpu.memory_space<semaphore_mem>>)
      %slice3A_142 = vector.extract_strided_slice %get3A_12 {offsets = [11], sizes = [1], strides = [1]} : vector<16xi32> to vector<1xi32>
      %squeeze3A_143 = vector.extract %slice3A_142[0] : i32 from vector<1xi32>
      %add3A_144 = arith.constant 11 : i32
      %add3A_145 = arith.addi %mul3A_10, %add3A_144 : i32
      %dma_start3A_146 = arith.constant 0 : i32
      %dma_start3A_147 = tpu.memref_slice %arg6[%add3A_145, %dma_start3A_146] : memref<512x64xf32, #tpu.memory_space<vmem>> -> memref<1x64xf32, #tpu.memory_space<vmem>>
      %dma_start3A_148 = arith.constant 0 : i32
      %dma_start3A_149 = tpu.memref_slice %arg3[%squeeze3A_143, %dma_start3A_148] : memref<1000001x64xf32, #tpu.memory_space<hbm>> -> memref<1x64xf32, #tpu.memory_space<hbm>>
      %dma_start3A_150 = arith.constant 0 : i32
      %dma_start3A_151 = tpu.memref_slice %arg6[%add3A_145, %dma_start3A_150] : memref<512x64xf32, #tpu.memory_space<vmem>> -> memref<1x64xf32, #tpu.memory_space<vmem>>
      %dma_start3A_152 = arith.constant 0 : i32
      %dma_start3A_153 = tpu.memref_slice %arg3[%squeeze3A_143, %dma_start3A_152] : memref<1000001x64xf32, #tpu.memory_space<hbm>> -> memref<1x64xf32, #tpu.memory_space<hbm>>
      tpu.enqueue_dma source(%dma_start3A_153 : memref<1x64xf32, #tpu.memory_space<hbm>>) target(%dma_start3A_151 : memref<1x64xf32, #tpu.memory_space<vmem>>) target_semaphore(%arg7 : memref<!tpu.dma_semaphore, #tpu.memory_space<semaphore_mem>>)
      %slice3A_154 = vector.extract_strided_slice %get3A_12 {offsets = [12], sizes = [1], strides = [1]} : vector<16xi32> to vector<1xi32>
      %squeeze3A_155 = vector.extract %slice3A_154[0] : i32 from vector<1xi32>
      %add3A_156 = arith.constant 12 : i32
      %add3A_157 = arith.addi %mul3A_10, %add3A_156 : i32
      %dma_start3A_158 = arith.constant 0 : i32
      %dma_start3A_159 = tpu.memref_slice %arg6[%add3A_157, %dma_start3A_158] : memref<512x64xf32, #tpu.memory_space<vmem>> -> memref<1x64xf32, #tpu.memory_space<vmem>>
      %dma_start3A_160 = arith.constant 0 : i32
      %dma_start3A_161 = tpu.memref_slice %arg3[%squeeze3A_155, %dma_start3A_160] : memref<1000001x64xf32, #tpu.memory_space<hbm>> -> memref<1x64xf32, #tpu.memory_space<hbm>>
      %dma_start3A_162 = arith.constant 0 : i32
      %dma_start3A_163 = tpu.memref_slice %arg6[%add3A_157, %dma_start3A_162] : memref<512x64xf32, #tpu.memory_space<vmem>> -> memref<1x64xf32, #tpu.memory_space<vmem>>
      %dma_start3A_164 = arith.constant 0 : i32
      %dma_start3A_165 = tpu.memref_slice %arg3[%squeeze3A_155, %dma_start3A_164] : memref<1000001x64xf32, #tpu.memory_space<hbm>> -> memref<1x64xf32, #tpu.memory_space<hbm>>
      tpu.enqueue_dma source(%dma_start3A_165 : memref<1x64xf32, #tpu.memory_space<hbm>>) target(%dma_start3A_163 : memref<1x64xf32, #tpu.memory_space<vmem>>) target_semaphore(%arg7 : memref<!tpu.dma_semaphore, #tpu.memory_space<semaphore_mem>>)
      %slice3A_166 = vector.extract_strided_slice %get3A_12 {offsets = [13], sizes = [1], strides = [1]} : vector<16xi32> to vector<1xi32>
      %squeeze3A_167 = vector.extract %slice3A_166[0] : i32 from vector<1xi32>
      %add3A_168 = arith.constant 13 : i32
      %add3A_169 = arith.addi %mul3A_10, %add3A_168 : i32
      %dma_start3A_170 = arith.constant 0 : i32
      %dma_start3A_171 = tpu.memref_slice %arg6[%add3A_169, %dma_start3A_170] : memref<512x64xf32, #tpu.memory_space<vmem>> -> memref<1x64xf32, #tpu.memory_space<vmem>>
      %dma_start3A_172 = arith.constant 0 : i32
      %dma_start3A_173 = tpu.memref_slice %arg3[%squeeze3A_167, %dma_start3A_172] : memref<1000001x64xf32, #tpu.memory_space<hbm>> -> memref<1x64xf32, #tpu.memory_space<hbm>>
      %dma_start3A_174 = arith.constant 0 : i32
      %dma_start3A_175 = tpu.memref_slice %arg6[%add3A_169, %dma_start3A_174] : memref<512x64xf32, #tpu.memory_space<vmem>> -> memref<1x64xf32, #tpu.memory_space<vmem>>
      %dma_start3A_176 = arith.constant 0 : i32
      %dma_start3A_177 = tpu.memref_slice %arg3[%squeeze3A_167, %dma_start3A_176] : memref<1000001x64xf32, #tpu.memory_space<hbm>> -> memref<1x64xf32, #tpu.memory_space<hbm>>
      tpu.enqueue_dma source(%dma_start3A_177 : memref<1x64xf32, #tpu.memory_space<hbm>>) target(%dma_start3A_175 : memref<1x64xf32, #tpu.memory_space<vmem>>) target_semaphore(%arg7 : memref<!tpu.dma_semaphore, #tpu.memory_space<semaphore_mem>>)
      %slice3A_178 = vector.extract_strided_slice %get3A_12 {offsets = [14], sizes = [1], strides = [1]} : vector<16xi32> to vector<1xi32>
      %squeeze3A_179 = vector.extract %slice3A_178[0] : i32 from vector<1xi32>
      %add3A_180 = arith.constant 14 : i32
      %add3A_181 = arith.addi %mul3A_10, %add3A_180 : i32
      %dma_start3A_182 = arith.constant 0 : i32
      %dma_start3A_183 = tpu.memref_slice %arg6[%add3A_181, %dma_start3A_182] : memref<512x64xf32, #tpu.memory_space<vmem>> -> memref<1x64xf32, #tpu.memory_space<vmem>>
      %dma_start3A_184 = arith.constant 0 : i32
      %dma_start3A_185 = tpu.memref_slice %arg3[%squeeze3A_179, %dma_start3A_184] : memref<1000001x64xf32, #tpu.memory_space<hbm>> -> memref<1x64xf32, #tpu.memory_space<hbm>>
      %dma_start3A_186 = arith.constant 0 : i32
      %dma_start3A_187 = tpu.memref_slice %arg6[%add3A_181, %dma_start3A_186] : memref<512x64xf32, #tpu.memory_space<vmem>> -> memref<1x64xf32, #tpu.memory_space<vmem>>
      %dma_start3A_188 = arith.constant 0 : i32
      %dma_start3A_189 = tpu.memref_slice %arg3[%squeeze3A_179, %dma_start3A_188] : memref<1000001x64xf32, #tpu.memory_space<hbm>> -> memref<1x64xf32, #tpu.memory_space<hbm>>
      tpu.enqueue_dma source(%dma_start3A_189 : memref<1x64xf32, #tpu.memory_space<hbm>>) target(%dma_start3A_187 : memref<1x64xf32, #tpu.memory_space<vmem>>) target_semaphore(%arg7 : memref<!tpu.dma_semaphore, #tpu.memory_space<semaphore_mem>>)
      %slice3A_190 = vector.extract_strided_slice %get3A_12 {offsets = [15], sizes = [1], strides = [1]} : vector<16xi32> to vector<1xi32>
      %squeeze3A_191 = vector.extract %slice3A_190[0] : i32 from vector<1xi32>
      %add3A_192 = arith.constant 15 : i32
      %add3A_193 = arith.addi %mul3A_10, %add3A_192 : i32
      %dma_start3A_194 = arith.constant 0 : i32
      %dma_start3A_195 = tpu.memref_slice %arg6[%add3A_193, %dma_start3A_194] : memref<512x64xf32, #tpu.memory_space<vmem>> -> memref<1x64xf32, #tpu.memory_space<vmem>>
      %dma_start3A_196 = arith.constant 0 : i32
      %dma_start3A_197 = tpu.memref_slice %arg3[%squeeze3A_191, %dma_start3A_196] : memref<1000001x64xf32, #tpu.memory_space<hbm>> -> memref<1x64xf32, #tpu.memory_space<hbm>>
      %dma_start3A_198 = arith.constant 0 : i32
      %dma_start3A_199 = tpu.memref_slice %arg6[%add3A_193, %dma_start3A_198] : memref<512x64xf32, #tpu.memory_space<vmem>> -> memref<1x64xf32, #tpu.memory_space<vmem>>
      %dma_start3A_200 = arith.constant 0 : i32
      %dma_start3A_201 = tpu.memref_slice %arg3[%squeeze3A_191, %dma_start3A_200] : memref<1000001x64xf32, #tpu.memory_space<hbm>> -> memref<1x64xf32, #tpu.memory_space<hbm>>
      tpu.enqueue_dma source(%dma_start3A_201 : memref<1x64xf32, #tpu.memory_space<hbm>>) target(%dma_start3A_199 : memref<1x64xf32, #tpu.memory_space<vmem>>) target_semaphore(%arg7 : memref<!tpu.dma_semaphore, #tpu.memory_space<semaphore_mem>>)
      %add3A_202 = arith.constant 0 : i32
      %add3A_203 = arith.addi %mul3A_10, %add3A_202 : i32
      %dma_wait3A = arith.constant 0 : i32
      %dma_wait3A_204 = tpu.memref_slice %arg6[%add3A_203, %dma_wait3A] : memref<512x64xf32, #tpu.memory_space<vmem>> -> memref<1x64xf32, #tpu.memory_space<vmem>>
      %dma_wait3A_205 = arith.constant 0 : i32
      %dma_wait3A_206 = arith.constant 0 : i32
      %dma_wait3A_207 = tpu.memref_slice %arg3[%dma_wait3A_205, %dma_wait3A_206] : memref<1000001x64xf32, #tpu.memory_space<hbm>> -> memref<1x64xf32, #tpu.memory_space<hbm>>
      %dma_wait3A_208 = arith.constant 0 : i32
      %dma_wait3A_209 = tpu.memref_slice %arg6[%add3A_203, %dma_wait3A_208] : memref<512x64xf32, #tpu.memory_space<vmem>> -> memref<1x64xf32, #tpu.memory_space<vmem>>
      %dma_wait3A_210 = arith.constant 0 : i32
      %dma_wait3A_211 = arith.constant 0 : i32
      %dma_wait3A_212 = tpu.memref_slice %arg3[%dma_wait3A_210, %dma_wait3A_211] : memref<1000001x64xf32, #tpu.memory_space<hbm>> -> memref<1x64xf32, #tpu.memory_space<hbm>>
      tpu.wait_dma2 semaphore(%arg7 : memref<!tpu.dma_semaphore, #tpu.memory_space<semaphore_mem>>) src(%dma_wait3A_212 : memref<1x64xf32, #tpu.memory_space<hbm>>) dst(%dma_wait3A_209 : memref<1x64xf32, #tpu.memory_space<vmem>>)
      %add3A_213 = arith.constant 1 : i32
      %add3A_214 = arith.addi %mul3A_10, %add3A_213 : i32
      %dma_wait3A_215 = arith.constant 0 : i32
      %dma_wait3A_216 = tpu.memref_slice %arg6[%add3A_214, %dma_wait3A_215] : memref<512x64xf32, #tpu.memory_space<vmem>> -> memref<1x64xf32, #tpu.memory_space<vmem>>
      %dma_wait3A_217 = arith.constant 0 : i32
      %dma_wait3A_218 = arith.constant 0 : i32
      %dma_wait3A_219 = tpu.memref_slice %arg3[%dma_wait3A_217, %dma_wait3A_218] : memref<1000001x64xf32, #tpu.memory_space<hbm>> -> memref<1x64xf32, #tpu.memory_space<hbm>>
      %dma_wait3A_220 = arith.constant 0 : i32
      %dma_wait3A_221 = tpu.memref_slice %arg6[%add3A_214, %dma_wait3A_220] : memref<512x64xf32, #tpu.memory_space<vmem>> -> memref<1x64xf32, #tpu.memory_space<vmem>>
      %dma_wait3A_222 = arith.constant 0 : i32
      %dma_wait3A_223 = arith.constant 0 : i32
      %dma_wait3A_224 = tpu.memref_slice %arg3[%dma_wait3A_222, %dma_wait3A_223] : memref<1000001x64xf32, #tpu.memory_space<hbm>> -> memref<1x64xf32, #tpu.memory_space<hbm>>
      tpu.wait_dma2 semaphore(%arg7 : memref<!tpu.dma_semaphore, #tpu.memory_space<semaphore_mem>>) src(%dma_wait3A_224 : memref<1x64xf32, #tpu.memory_space<hbm>>) dst(%dma_wait3A_221 : memref<1x64xf32, #tpu.memory_space<vmem>>)
      %add3A_225 = arith.constant 2 : i32
      %add3A_226 = arith.addi %mul3A_10, %add3A_225 : i32
      %dma_wait3A_227 = arith.constant 0 : i32
      %dma_wait3A_228 = tpu.memref_slice %arg6[%add3A_226, %dma_wait3A_227] : memref<512x64xf32, #tpu.memory_space<vmem>> -> memref<1x64xf32, #tpu.memory_space<vmem>>
      %dma_wait3A_229 = arith.constant 0 : i32
      %dma_wait3A_230 = arith.constant 0 : i32
      %dma_wait3A_231 = tpu.memref_slice %arg3[%dma_wait3A_229, %dma_wait3A_230] : memref<1000001x64xf32, #tpu.memory_space<hbm>> -> memref<1x64xf32, #tpu.memory_space<hbm>>
      %dma_wait3A_232 = arith.constant 0 : i32
      %dma_wait3A_233 = tpu.memref_slice %arg6[%add3A_226, %dma_wait3A_232] : memref<512x64xf32, #tpu.memory_space<vmem>> -> memref<1x64xf32, #tpu.memory_space<vmem>>
      %dma_wait3A_234 = arith.constant 0 : i32
      %dma_wait3A_235 = arith.constant 0 : i32
      %dma_wait3A_236 = tpu.memref_slice %arg3[%dma_wait3A_234, %dma_wait3A_235] : memref<1000001x64xf32, #tpu.memory_space<hbm>> -> memref<1x64xf32, #tpu.memory_space<hbm>>
      tpu.wait_dma2 semaphore(%arg7 : memref<!tpu.dma_semaphore, #tpu.memory_space<semaphore_mem>>) src(%dma_wait3A_236 : memref<1x64xf32, #tpu.memory_space<hbm>>) dst(%dma_wait3A_233 : memref<1x64xf32, #tpu.memory_space<vmem>>)
      %add3A_237 = arith.constant 3 : i32
      %add3A_238 = arith.addi %mul3A_10, %add3A_237 : i32
      %dma_wait3A_239 = arith.constant 0 : i32
      %dma_wait3A_240 = tpu.memref_slice %arg6[%add3A_238, %dma_wait3A_239] : memref<512x64xf32, #tpu.memory_space<vmem>> -> memref<1x64xf32, #tpu.memory_space<vmem>>
      %dma_wait3A_241 = arith.constant 0 : i32
      %dma_wait3A_242 = arith.constant 0 : i32
      %dma_wait3A_243 = tpu.memref_slice %arg3[%dma_wait3A_241, %dma_wait3A_242] : memref<1000001x64xf32, #tpu.memory_space<hbm>> -> memref<1x64xf32, #tpu.memory_space<hbm>>
      %dma_wait3A_244 = arith.constant 0 : i32
      %dma_wait3A_245 = tpu.memref_slice %arg6[%add3A_238, %dma_wait3A_244] : memref<512x64xf32, #tpu.memory_space<vmem>> -> memref<1x64xf32, #tpu.memory_space<vmem>>
      %dma_wait3A_246 = arith.constant 0 : i32
      %dma_wait3A_247 = arith.constant 0 : i32
      %dma_wait3A_248 = tpu.memref_slice %arg3[%dma_wait3A_246, %dma_wait3A_247] : memref<1000001x64xf32, #tpu.memory_space<hbm>> -> memref<1x64xf32, #tpu.memory_space<hbm>>
      tpu.wait_dma2 semaphore(%arg7 : memref<!tpu.dma_semaphore, #tpu.memory_space<semaphore_mem>>) src(%dma_wait3A_248 : memref<1x64xf32, #tpu.memory_space<hbm>>) dst(%dma_wait3A_245 : memref<1x64xf32, #tpu.memory_space<vmem>>)
      %add3A_249 = arith.constant 4 : i32
      %add3A_250 = arith.addi %mul3A_10, %add3A_249 : i32
      %dma_wait3A_251 = arith.constant 0 : i32
      %dma_wait3A_252 = tpu.memref_slice %arg6[%add3A_250, %dma_wait3A_251] : memref<512x64xf32, #tpu.memory_space<vmem>> -> memref<1x64xf32, #tpu.memory_space<vmem>>
      %dma_wait3A_253 = arith.constant 0 : i32
      %dma_wait3A_254 = arith.constant 0 : i32
      %dma_wait3A_255 = tpu.memref_slice %arg3[%dma_wait3A_253, %dma_wait3A_254] : memref<1000001x64xf32, #tpu.memory_space<hbm>> -> memref<1x64xf32, #tpu.memory_space<hbm>>
      %dma_wait3A_256 = arith.constant 0 : i32
      %dma_wait3A_257 = tpu.memref_slice %arg6[%add3A_250, %dma_wait3A_256] : memref<512x64xf32, #tpu.memory_space<vmem>> -> memref<1x64xf32, #tpu.memory_space<vmem>>
      %dma_wait3A_258 = arith.constant 0 : i32
      %dma_wait3A_259 = arith.constant 0 : i32
      %dma_wait3A_260 = tpu.memref_slice %arg3[%dma_wait3A_258, %dma_wait3A_259] : memref<1000001x64xf32, #tpu.memory_space<hbm>> -> memref<1x64xf32, #tpu.memory_space<hbm>>
      tpu.wait_dma2 semaphore(%arg7 : memref<!tpu.dma_semaphore, #tpu.memory_space<semaphore_mem>>) src(%dma_wait3A_260 : memref<1x64xf32, #tpu.memory_space<hbm>>) dst(%dma_wait3A_257 : memref<1x64xf32, #tpu.memory_space<vmem>>)
      %add3A_261 = arith.constant 5 : i32
      %add3A_262 = arith.addi %mul3A_10, %add3A_261 : i32
      %dma_wait3A_263 = arith.constant 0 : i32
      %dma_wait3A_264 = tpu.memref_slice %arg6[%add3A_262, %dma_wait3A_263] : memref<512x64xf32, #tpu.memory_space<vmem>> -> memref<1x64xf32, #tpu.memory_space<vmem>>
      %dma_wait3A_265 = arith.constant 0 : i32
      %dma_wait3A_266 = arith.constant 0 : i32
      %dma_wait3A_267 = tpu.memref_slice %arg3[%dma_wait3A_265, %dma_wait3A_266] : memref<1000001x64xf32, #tpu.memory_space<hbm>> -> memref<1x64xf32, #tpu.memory_space<hbm>>
      %dma_wait3A_268 = arith.constant 0 : i32
      %dma_wait3A_269 = tpu.memref_slice %arg6[%add3A_262, %dma_wait3A_268] : memref<512x64xf32, #tpu.memory_space<vmem>> -> memref<1x64xf32, #tpu.memory_space<vmem>>
      %dma_wait3A_270 = arith.constant 0 : i32
      %dma_wait3A_271 = arith.constant 0 : i32
      %dma_wait3A_272 = tpu.memref_slice %arg3[%dma_wait3A_270, %dma_wait3A_271] : memref<1000001x64xf32, #tpu.memory_space<hbm>> -> memref<1x64xf32, #tpu.memory_space<hbm>>
      tpu.wait_dma2 semaphore(%arg7 : memref<!tpu.dma_semaphore, #tpu.memory_space<semaphore_mem>>) src(%dma_wait3A_272 : memref<1x64xf32, #tpu.memory_space<hbm>>) dst(%dma_wait3A_269 : memref<1x64xf32, #tpu.memory_space<vmem>>)
      %add3A_273 = arith.constant 6 : i32
      %add3A_274 = arith.addi %mul3A_10, %add3A_273 : i32
      %dma_wait3A_275 = arith.constant 0 : i32
      %dma_wait3A_276 = tpu.memref_slice %arg6[%add3A_274, %dma_wait3A_275] : memref<512x64xf32, #tpu.memory_space<vmem>> -> memref<1x64xf32, #tpu.memory_space<vmem>>
      %dma_wait3A_277 = arith.constant 0 : i32
      %dma_wait3A_278 = arith.constant 0 : i32
      %dma_wait3A_279 = tpu.memref_slice %arg3[%dma_wait3A_277, %dma_wait3A_278] : memref<1000001x64xf32, #tpu.memory_space<hbm>> -> memref<1x64xf32, #tpu.memory_space<hbm>>
      %dma_wait3A_280 = arith.constant 0 : i32
      %dma_wait3A_281 = tpu.memref_slice %arg6[%add3A_274, %dma_wait3A_280] : memref<512x64xf32, #tpu.memory_space<vmem>> -> memref<1x64xf32, #tpu.memory_space<vmem>>
      %dma_wait3A_282 = arith.constant 0 : i32
      %dma_wait3A_283 = arith.constant 0 : i32
      %dma_wait3A_284 = tpu.memref_slice %arg3[%dma_wait3A_282, %dma_wait3A_283] : memref<1000001x64xf32, #tpu.memory_space<hbm>> -> memref<1x64xf32, #tpu.memory_space<hbm>>
      tpu.wait_dma2 semaphore(%arg7 : memref<!tpu.dma_semaphore, #tpu.memory_space<semaphore_mem>>) src(%dma_wait3A_284 : memref<1x64xf32, #tpu.memory_space<hbm>>) dst(%dma_wait3A_281 : memref<1x64xf32, #tpu.memory_space<vmem>>)
      %add3A_285 = arith.constant 7 : i32
      %add3A_286 = arith.addi %mul3A_10, %add3A_285 : i32
      %dma_wait3A_287 = arith.constant 0 : i32
      %dma_wait3A_288 = tpu.memref_slice %arg6[%add3A_286, %dma_wait3A_287] : memref<512x64xf32, #tpu.memory_space<vmem>> -> memref<1x64xf32, #tpu.memory_space<vmem>>
      %dma_wait3A_289 = arith.constant 0 : i32
      %dma_wait3A_290 = arith.constant 0 : i32
      %dma_wait3A_291 = tpu.memref_slice %arg3[%dma_wait3A_289, %dma_wait3A_290] : memref<1000001x64xf32, #tpu.memory_space<hbm>> -> memref<1x64xf32, #tpu.memory_space<hbm>>
      %dma_wait3A_292 = arith.constant 0 : i32
      %dma_wait3A_293 = tpu.memref_slice %arg6[%add3A_286, %dma_wait3A_292] : memref<512x64xf32, #tpu.memory_space<vmem>> -> memref<1x64xf32, #tpu.memory_space<vmem>>
      %dma_wait3A_294 = arith.constant 0 : i32
      %dma_wait3A_295 = arith.constant 0 : i32
      %dma_wait3A_296 = tpu.memref_slice %arg3[%dma_wait3A_294, %dma_wait3A_295] : memref<1000001x64xf32, #tpu.memory_space<hbm>> -> memref<1x64xf32, #tpu.memory_space<hbm>>
      tpu.wait_dma2 semaphore(%arg7 : memref<!tpu.dma_semaphore, #tpu.memory_space<semaphore_mem>>) src(%dma_wait3A_296 : memref<1x64xf32, #tpu.memory_space<hbm>>) dst(%dma_wait3A_293 : memref<1x64xf32, #tpu.memory_space<vmem>>)
      %add3A_297 = arith.constant 8 : i32
      %add3A_298 = arith.addi %mul3A_10, %add3A_297 : i32
      %dma_wait3A_299 = arith.constant 0 : i32
      %dma_wait3A_300 = tpu.memref_slice %arg6[%add3A_298, %dma_wait3A_299] : memref<512x64xf32, #tpu.memory_space<vmem>> -> memref<1x64xf32, #tpu.memory_space<vmem>>
      %dma_wait3A_301 = arith.constant 0 : i32
      %dma_wait3A_302 = arith.constant 0 : i32
      %dma_wait3A_303 = tpu.memref_slice %arg3[%dma_wait3A_301, %dma_wait3A_302] : memref<1000001x64xf32, #tpu.memory_space<hbm>> -> memref<1x64xf32, #tpu.memory_space<hbm>>
      %dma_wait3A_304 = arith.constant 0 : i32
      %dma_wait3A_305 = tpu.memref_slice %arg6[%add3A_298, %dma_wait3A_304] : memref<512x64xf32, #tpu.memory_space<vmem>> -> memref<1x64xf32, #tpu.memory_space<vmem>>
      %dma_wait3A_306 = arith.constant 0 : i32
      %dma_wait3A_307 = arith.constant 0 : i32
      %dma_wait3A_308 = tpu.memref_slice %arg3[%dma_wait3A_306, %dma_wait3A_307] : memref<1000001x64xf32, #tpu.memory_space<hbm>> -> memref<1x64xf32, #tpu.memory_space<hbm>>
      tpu.wait_dma2 semaphore(%arg7 : memref<!tpu.dma_semaphore, #tpu.memory_space<semaphore_mem>>) src(%dma_wait3A_308 : memref<1x64xf32, #tpu.memory_space<hbm>>) dst(%dma_wait3A_305 : memref<1x64xf32, #tpu.memory_space<vmem>>)
      %add3A_309 = arith.constant 9 : i32
      %add3A_310 = arith.addi %mul3A_10, %add3A_309 : i32
      %dma_wait3A_311 = arith.constant 0 : i32
      %dma_wait3A_312 = tpu.memref_slice %arg6[%add3A_310, %dma_wait3A_311] : memref<512x64xf32, #tpu.memory_space<vmem>> -> memref<1x64xf32, #tpu.memory_space<vmem>>
      %dma_wait3A_313 = arith.constant 0 : i32
      %dma_wait3A_314 = arith.constant 0 : i32
      %dma_wait3A_315 = tpu.memref_slice %arg3[%dma_wait3A_313, %dma_wait3A_314] : memref<1000001x64xf32, #tpu.memory_space<hbm>> -> memref<1x64xf32, #tpu.memory_space<hbm>>
      %dma_wait3A_316 = arith.constant 0 : i32
      %dma_wait3A_317 = tpu.memref_slice %arg6[%add3A_310, %dma_wait3A_316] : memref<512x64xf32, #tpu.memory_space<vmem>> -> memref<1x64xf32, #tpu.memory_space<vmem>>
      %dma_wait3A_318 = arith.constant 0 : i32
      %dma_wait3A_319 = arith.constant 0 : i32
      %dma_wait3A_320 = tpu.memref_slice %arg3[%dma_wait3A_318, %dma_wait3A_319] : memref<1000001x64xf32, #tpu.memory_space<hbm>> -> memref<1x64xf32, #tpu.memory_space<hbm>>
      tpu.wait_dma2 semaphore(%arg7 : memref<!tpu.dma_semaphore, #tpu.memory_space<semaphore_mem>>) src(%dma_wait3A_320 : memref<1x64xf32, #tpu.memory_space<hbm>>) dst(%dma_wait3A_317 : memref<1x64xf32, #tpu.memory_space<vmem>>)
      %add3A_321 = arith.constant 10 : i32
      %add3A_322 = arith.addi %mul3A_10, %add3A_321 : i32
      %dma_wait3A_323 = arith.constant 0 : i32
      %dma_wait3A_324 = tpu.memref_slice %arg6[%add3A_322, %dma_wait3A_323] : memref<512x64xf32, #tpu.memory_space<vmem>> -> memref<1x64xf32, #tpu.memory_space<vmem>>
      %dma_wait3A_325 = arith.constant 0 : i32
      %dma_wait3A_326 = arith.constant 0 : i32
      %dma_wait3A_327 = tpu.memref_slice %arg3[%dma_wait3A_325, %dma_wait3A_326] : memref<1000001x64xf32, #tpu.memory_space<hbm>> -> memref<1x64xf32, #tpu.memory_space<hbm>>
      %dma_wait3A_328 = arith.constant 0 : i32
      %dma_wait3A_329 = tpu.memref_slice %arg6[%add3A_322, %dma_wait3A_328] : memref<512x64xf32, #tpu.memory_space<vmem>> -> memref<1x64xf32, #tpu.memory_space<vmem>>
      %dma_wait3A_330 = arith.constant 0 : i32
      %dma_wait3A_331 = arith.constant 0 : i32
      %dma_wait3A_332 = tpu.memref_slice %arg3[%dma_wait3A_330, %dma_wait3A_331] : memref<1000001x64xf32, #tpu.memory_space<hbm>> -> memref<1x64xf32, #tpu.memory_space<hbm>>
      tpu.wait_dma2 semaphore(%arg7 : memref<!tpu.dma_semaphore, #tpu.memory_space<semaphore_mem>>) src(%dma_wait3A_332 : memref<1x64xf32, #tpu.memory_space<hbm>>) dst(%dma_wait3A_329 : memref<1x64xf32, #tpu.memory_space<vmem>>)
      %add3A_333 = arith.constant 11 : i32
      %add3A_334 = arith.addi %mul3A_10, %add3A_333 : i32
      %dma_wait3A_335 = arith.constant 0 : i32
      %dma_wait3A_336 = tpu.memref_slice %arg6[%add3A_334, %dma_wait3A_335] : memref<512x64xf32, #tpu.memory_space<vmem>> -> memref<1x64xf32, #tpu.memory_space<vmem>>
      %dma_wait3A_337 = arith.constant 0 : i32
      %dma_wait3A_338 = arith.constant 0 : i32
      %dma_wait3A_339 = tpu.memref_slice %arg3[%dma_wait3A_337, %dma_wait3A_338] : memref<1000001x64xf32, #tpu.memory_space<hbm>> -> memref<1x64xf32, #tpu.memory_space<hbm>>
      %dma_wait3A_340 = arith.constant 0 : i32
      %dma_wait3A_341 = tpu.memref_slice %arg6[%add3A_334, %dma_wait3A_340] : memref<512x64xf32, #tpu.memory_space<vmem>> -> memref<1x64xf32, #tpu.memory_space<vmem>>
      %dma_wait3A_342 = arith.constant 0 : i32
      %dma_wait3A_343 = arith.constant 0 : i32
      %dma_wait3A_344 = tpu.memref_slice %arg3[%dma_wait3A_342, %dma_wait3A_343] : memref<1000001x64xf32, #tpu.memory_space<hbm>> -> memref<1x64xf32, #tpu.memory_space<hbm>>
      tpu.wait_dma2 semaphore(%arg7 : memref<!tpu.dma_semaphore, #tpu.memory_space<semaphore_mem>>) src(%dma_wait3A_344 : memref<1x64xf32, #tpu.memory_space<hbm>>) dst(%dma_wait3A_341 : memref<1x64xf32, #tpu.memory_space<vmem>>)
      %add3A_345 = arith.constant 12 : i32
      %add3A_346 = arith.addi %mul3A_10, %add3A_345 : i32
      %dma_wait3A_347 = arith.constant 0 : i32
      %dma_wait3A_348 = tpu.memref_slice %arg6[%add3A_346, %dma_wait3A_347] : memref<512x64xf32, #tpu.memory_space<vmem>> -> memref<1x64xf32, #tpu.memory_space<vmem>>
      %dma_wait3A_349 = arith.constant 0 : i32
      %dma_wait3A_350 = arith.constant 0 : i32
      %dma_wait3A_351 = tpu.memref_slice %arg3[%dma_wait3A_349, %dma_wait3A_350] : memref<1000001x64xf32, #tpu.memory_space<hbm>> -> memref<1x64xf32, #tpu.memory_space<hbm>>
      %dma_wait3A_352 = arith.constant 0 : i32
      %dma_wait3A_353 = tpu.memref_slice %arg6[%add3A_346, %dma_wait3A_352] : memref<512x64xf32, #tpu.memory_space<vmem>> -> memref<1x64xf32, #tpu.memory_space<vmem>>
      %dma_wait3A_354 = arith.constant 0 : i32
      %dma_wait3A_355 = arith.constant 0 : i32
      %dma_wait3A_356 = tpu.memref_slice %arg3[%dma_wait3A_354, %dma_wait3A_355] : memref<1000001x64xf32, #tpu.memory_space<hbm>> -> memref<1x64xf32, #tpu.memory_space<hbm>>
      tpu.wait_dma2 semaphore(%arg7 : memref<!tpu.dma_semaphore, #tpu.memory_space<semaphore_mem>>) src(%dma_wait3A_356 : memref<1x64xf32, #tpu.memory_space<hbm>>) dst(%dma_wait3A_353 : memref<1x64xf32, #tpu.memory_space<vmem>>)
      %add3A_357 = arith.constant 13 : i32
      %add3A_358 = arith.addi %mul3A_10, %add3A_357 : i32
      %dma_wait3A_359 = arith.constant 0 : i32
      %dma_wait3A_360 = tpu.memref_slice %arg6[%add3A_358, %dma_wait3A_359] : memref<512x64xf32, #tpu.memory_space<vmem>> -> memref<1x64xf32, #tpu.memory_space<vmem>>
      %dma_wait3A_361 = arith.constant 0 : i32
      %dma_wait3A_362 = arith.constant 0 : i32
      %dma_wait3A_363 = tpu.memref_slice %arg3[%dma_wait3A_361, %dma_wait3A_362] : memref<1000001x64xf32, #tpu.memory_space<hbm>> -> memref<1x64xf32, #tpu.memory_space<hbm>>
      %dma_wait3A_364 = arith.constant 0 : i32
      %dma_wait3A_365 = tpu.memref_slice %arg6[%add3A_358, %dma_wait3A_364] : memref<512x64xf32, #tpu.memory_space<vmem>> -> memref<1x64xf32, #tpu.memory_space<vmem>>
      %dma_wait3A_366 = arith.constant 0 : i32
      %dma_wait3A_367 = arith.constant 0 : i32
      %dma_wait3A_368 = tpu.memref_slice %arg3[%dma_wait3A_366, %dma_wait3A_367] : memref<1000001x64xf32, #tpu.memory_space<hbm>> -> memref<1x64xf32, #tpu.memory_space<hbm>>
      tpu.wait_dma2 semaphore(%arg7 : memref<!tpu.dma_semaphore, #tpu.memory_space<semaphore_mem>>) src(%dma_wait3A_368 : memref<1x64xf32, #tpu.memory_space<hbm>>) dst(%dma_wait3A_365 : memref<1x64xf32, #tpu.memory_space<vmem>>)
      %add3A_369 = arith.constant 14 : i32
      %add3A_370 = arith.addi %mul3A_10, %add3A_369 : i32
      %dma_wait3A_371 = arith.constant 0 : i32
      %dma_wait3A_372 = tpu.memref_slice %arg6[%add3A_370, %dma_wait3A_371] : memref<512x64xf32, #tpu.memory_space<vmem>> -> memref<1x64xf32, #tpu.memory_space<vmem>>
      %dma_wait3A_373 = arith.constant 0 : i32
      %dma_wait3A_374 = arith.constant 0 : i32
      %dma_wait3A_375 = tpu.memref_slice %arg3[%dma_wait3A_373, %dma_wait3A_374] : memref<1000001x64xf32, #tpu.memory_space<hbm>> -> memref<1x64xf32, #tpu.memory_space<hbm>>
      %dma_wait3A_376 = arith.constant 0 : i32
      %dma_wait3A_377 = tpu.memref_slice %arg6[%add3A_370, %dma_wait3A_376] : memref<512x64xf32, #tpu.memory_space<vmem>> -> memref<1x64xf32, #tpu.memory_space<vmem>>
      %dma_wait3A_378 = arith.constant 0 : i32
      %dma_wait3A_379 = arith.constant 0 : i32
      %dma_wait3A_380 = tpu.memref_slice %arg3[%dma_wait3A_378, %dma_wait3A_379] : memref<1000001x64xf32, #tpu.memory_space<hbm>> -> memref<1x64xf32, #tpu.memory_space<hbm>>
      tpu.wait_dma2 semaphore(%arg7 : memref<!tpu.dma_semaphore, #tpu.memory_space<semaphore_mem>>) src(%dma_wait3A_380 : memref<1x64xf32, #tpu.memory_space<hbm>>) dst(%dma_wait3A_377 : memref<1x64xf32, #tpu.memory_space<vmem>>)
      %add3A_381 = arith.constant 15 : i32
      %add3A_382 = arith.addi %mul3A_10, %add3A_381 : i32
      %dma_wait3A_383 = arith.constant 0 : i32
      %dma_wait3A_384 = tpu.memref_slice %arg6[%add3A_382, %dma_wait3A_383] : memref<512x64xf32, #tpu.memory_space<vmem>> -> memref<1x64xf32, #tpu.memory_space<vmem>>
      %dma_wait3A_385 = arith.constant 0 : i32
      %dma_wait3A_386 = arith.constant 0 : i32
      %dma_wait3A_387 = tpu.memref_slice %arg3[%dma_wait3A_385, %dma_wait3A_386] : memref<1000001x64xf32, #tpu.memory_space<hbm>> -> memref<1x64xf32, #tpu.memory_space<hbm>>
      %dma_wait3A_388 = arith.constant 0 : i32
      %dma_wait3A_389 = tpu.memref_slice %arg6[%add3A_382, %dma_wait3A_388] : memref<512x64xf32, #tpu.memory_space<vmem>> -> memref<1x64xf32, #tpu.memory_space<vmem>>
      %dma_wait3A_390 = arith.constant 0 : i32
      %dma_wait3A_391 = arith.constant 0 : i32
      %dma_wait3A_392 = tpu.memref_slice %arg3[%dma_wait3A_390, %dma_wait3A_391] : memref<1000001x64xf32, #tpu.memory_space<hbm>> -> memref<1x64xf32, #tpu.memory_space<hbm>>
      tpu.wait_dma2 semaphore(%arg7 : memref<!tpu.dma_semaphore, #tpu.memory_space<semaphore_mem>>) src(%dma_wait3A_392 : memref<1x64xf32, #tpu.memory_space<hbm>>) dst(%dma_wait3A_389 : memref<1x64xf32, #tpu.memory_space<vmem>>)
    }
    %scan3A_7 = arith.constant 32 : i32
    "tpu.region"() ({
      %run_scoped3A = tpu.sem_alloc : memref<!tpu.dma_semaphore, #tpu.memory_space<semaphore_mem>>
      %dma_start3A = arith.constant 0 : i32
      %dma_start3A_8 = tpu.memref_slice %arg4[%mul3A_2, %dma_start3A] : memref<16384x64xf32, #tpu.memory_space<hbm>> -> memref<512x64xf32, #tpu.memory_space<hbm>>
      %dma_start3A_9 = arith.constant 0 : i32
      %dma_start3A_10 = tpu.memref_slice %arg4[%mul3A_2, %dma_start3A_9] : memref<16384x64xf32, #tpu.memory_space<hbm>> -> memref<512x64xf32, #tpu.memory_space<hbm>>
      tpu.enqueue_dma source(%arg6 : memref<512x64xf32, #tpu.memory_space<vmem>>) target(%dma_start3A_10 : memref<512x64xf32, #tpu.memory_space<hbm>>) target_semaphore(%run_scoped3A : memref<!tpu.dma_semaphore, #tpu.memory_space<semaphore_mem>>)
      %dma_wait3A = arith.constant 0 : i32
      %dma_wait3A_11 = tpu.memref_slice %arg4[%mul3A_2, %dma_wait3A] : memref<16384x64xf32, #tpu.memory_space<hbm>> -> memref<512x64xf32, #tpu.memory_space<hbm>>
      %dma_wait3A_12 = arith.constant 0 : i32
      %dma_wait3A_13 = tpu.memref_slice %arg4[%mul3A_2, %dma_wait3A_12] : memref<16384x64xf32, #tpu.memory_space<hbm>> -> memref<512x64xf32, #tpu.memory_space<hbm>>
      tpu.wait_dma2 semaphore(%run_scoped3A : memref<!tpu.dma_semaphore, #tpu.memory_space<semaphore_mem>>) src(%arg6 : memref<512x64xf32, #tpu.memory_space<vmem>>) dst(%dma_wait3A_13 : memref<512x64xf32, #tpu.memory_space<hbm>>)
      tpu.yield
    }) : () -> ()
    return
  }
}

</mosaic_0001>

<sc_bundles>
// kernel: kernel.3.cloned.1.call-start
scs
__scs_entry_jumppad:
0x0: {  	(pc) =	sbr.rel $0x88, $3  }
0x1: {  	(tag) =	ssettag $0x0;
	lr =	simm.s32 $0x1  }
0x2: {  	[smem:$0x3F9F] =	sst lr;
	_ =	strace $0xD0000000  }
0x3: {  	_ = 	snop  }
0x4: {  	_ = 	snop  }
0x5: {  	_ = 	snop  }
0x6: {  	_ = 	snop  }
0x7: {  	_ = 	snop  }
__scs_overlays_trampoline_lowered:
0x8: {  	[smem:$0x3FAE] =	sst s0  }
0x9: {  	[smem:$0x3FAF] =	sst s1  }
0xa: {  	[smem:$0x3FB0] =	sst s2  }
0xb: {  	[smem:$0x3FB1] =	sst s3  }
0xc: {  	[smem:$0x3FB2] =	sst s4  }
0xd: {  	[smem:$0x3FB3] =	sst s5  }
0xe: {  	[smem:$0x3FB4] =	sst s6  }
0xf: {  	[smem:$0x3FB5] =	sst s7  }
0x10: {  	[smem:$0x3FB6] =	sst s8  }
0x11: {  	[smem:$0x3FB7] =	sst s9;
	s0 =	simm.s32 @!p0 $0x0  }
0x12: {  	s1 =	sld [smem:$0x3F9D];
	s0 =	simm.s32 @p0 $0x1  }
0x13: {  	[smem:$0x3FB8] =	sst s0;
	s0 =	simm.s32 @!p1 $0x0  }
0x14: {  	s2 =	sld [smem:$0x3F9C];
	s0 =	simm.s32 @p1 $0x1  }
0x15: {  	[smem:$0x3FB9] =	sst s0;
	s0 =	simm.s32 @!p2 $0x0  }
0x16: {  	s3 =	sld [smem:$0x3FDB];
	s0 =	simm.s32 @p2 $0x1  }
0x17: {  	s4 =	simm.s32 $0x1BF5;
	[smem:$0x3FBB] =	sst s0  }
0x18: {  	s0 =	sld [smem:$0x3F9E];
	_ =	swait.ge [sflag:s4], $0x0  }
0x19: {  	s7 =	sld [smem:$0x3F9F]  }
0x1a: {  	s8 =	sadd.s32 $0xFFFFE003, lr  }
0x1b: {  	s9 =	sadd.s32 $0xFFFFFEF7, lr;
	s5 =	simm.s32 $0xFFFFFFFF;
	p2 =	slt.u32 s8, $0xFFFFF086  }
0x1c: {  	p1 =	slt.u32 s9, $0xF7A;
	s5 =	simm.s32 @!p2 $0x0  }
0x1d: {  	s5 =	simm.s32 @p1 $0x1;
	p0 =	seq.s32 s7, s2  }
0x1e: {  	s7 =	smul.u32 @!p0 $0xF7A, s2;
	p2 =	seq.s32 @!p0 s5, $0x0  }
0x1f: {  	s9 =	smul.u32 $0xF7A, s1;
	s8 =	simm.s32 @!p0 $0x1BF5;
	p2 =	por !p2, p0  }
0x20: {  	[sflag:s8] =	ssyncset.s32 @!p0 $0xFFFFF086;
	s6 =	sadd.s32 @!p0 s3, s7;
	s7 =	simm.s32 @!p0 $0x108  }
0x21: {  	s3 =	sadd.s32 s3, s9;
	s6 =	sadd.s32 @!p0 $0x88, s6;
	s7 =	simm.s32 @p2 $0x1082  }
0x22: {  	[simem:s7], [sflag:s8] =	dma.local @!p0 [hbm:s6], $0xF7A  }
0x23: {  	s9 =	sor.u32 $0xD0000000, s2;
	s6 =	simm.s32 $0x108;
	_ =	swait.ge @!p0 [sflag:s8], $0x0  }
0x24: {  	s3 =	sadd.s32 $0x88, s3;
	s6 =	simm.s32 @!p1 $0x1082;
	[sflag:s4] =	ssyncset.s32 $0xFFFFF086  }
0x25: {  	[simem:s6], [sflag:s4] =	dma.local [hbm:s3], $0xF7A  }
0x26: {  	[smem:$0x3F9F] =	sst s1;
	(tag) =	ssettag s2;
	_ =	strace s9  }
0x27: {  	s1 =	sld [smem:$0x3FAF]  }
0x28: {  	s2 =	sld [smem:$0x3FB0]  }
0x29: {  	s4 =	sld [smem:$0x3FB2]  }
0x2a: {  	p0 =	seq.s32 s5, $0x0;
	s5 =	sld [smem:$0x3FB3]  }
0x2b: {  	s6 =	sld [smem:$0x3FB4]  }
0x2c: {  	s7 =	sld [smem:$0x3FB5]  }
0x2d: {  	s3 =	simm.s32 $0x108;
	s8 =	sld [smem:$0x3FB6]  }
0x2e: {  	s3 =	simm.s32 @!p0 $0x1082;
	s9 =	sld [smem:$0x3FB7]  }
0x2f: {  	lr =	sadd.s32 s0, s3;
	s0 =	sld [smem:$0x3FAE]  }
0x30: {  	s3 =	sld [smem:$0x3FB1]  }
0x31: {  	[smem:$0x3FBA] =	sst s10  }
0x32: {  	s10 =	sld [smem:$0x3FB8];
	_ =	sdelay $0x3  }
0x33: {  	p0 =	seq.s32 s10, $0x1;
	s10 =	sld [smem:$0x3FBA];
	_ =	sdelay $0x3  }
0x34: {  	[smem:$0x3FBA] =	sst s10  }
0x35: {  	s10 =	sld [smem:$0x3FB9];
	_ =	sdelay $0x3  }
0x36: {  	p1 =	seq.s32 s10, $0x1;
	s10 =	sld [smem:$0x3FBA];
	_ =	sdelay $0x3  }
0x37: {  	[smem:$0x3FBA] =	sst s10  }
0x38: {  	s10 =	sld [smem:$0x3FBB]  }
0x39: {  	_ = 	snop;
	(pc) =	sbr.ind lr, $3  }
0x3a: {  	_ = 	snop  }
0x3b: {  	_ = 	snop  }
0x3c: {  	p2 =	seq.s32 s10, $0x1;
	s10 =	sld [smem:$0x3FBA]  }
0x3d: {  	_ =	shalt  }
0x3e: {  	_ =	shalt  }
0x3f: {  	_ =	shalt  }
0x40: {  	_ =	shalt  }
0x41: {  	_ =	shalt  }
0x42: {  	_ =	shalt  }
0x43: {  	_ =	shalt  }
0x44: {  	_ =	shalt  }
0x45: {  	_ =	shalt  }
0x46: {  	_ =	shalt  }
0x47: {  	_ =	shalt  }
0x48: {  	_ =	shalt  }
0x49: {  	_ =	shalt  }
0x4a: {  	_ =	shalt  }
0x4b: {  	_ =	shalt  }
0x4c: {  	_ =	shalt  }
0x4d: {  	_ =	shalt  }
0x4e: {  	_ =	shalt  }
0x4f: {  	_ =	shalt  }
0x50: {  	_ =	shalt  }
0x51: {  	_ =	shalt  }
0x52: {  	_ =	shalt  }
0x53: {  	_ =	shalt  }
0x54: {  	_ =	shalt  }
0x55: {  	_ =	shalt  }
0x56: {  	_ =	shalt  }
0x57: {  	_ =	shalt  }
0x58: {  	_ =	shalt  }
0x59: {  	_ =	shalt  }
0x5a: {  	_ =	shalt  }
0x5b: {  	_ =	shalt  }
0x5c: {  	_ =	shalt  }
0x5d: {  	_ =	shalt  }
0x5e: {  	_ =	shalt  }
0x5f: {  	_ =	shalt  }
0x60: {  	_ =	shalt  }
0x61: {  	_ =	shalt  }
0x62: {  	_ =	shalt  }
0x63: {  	_ =	shalt  }
0x64: {  	_ =	shalt  }
0x65: {  	_ =	shalt  }
0x66: {  	_ =	shalt  }
0x67: {  	_ =	shalt  }
0x68: {  	_ =	shalt  }
0x69: {  	_ =	shalt  }
0x6a: {  	_ =	shalt  }
0x6b: {  	_ =	shalt  }
0x6c: {  	_ =	shalt  }
0x6d: {  	_ =	shalt  }
0x6e: {  	_ =	shalt  }
0x6f: {  	_ =	shalt  }
0x70: {  	_ =	shalt  }
0x71: {  	_ =	shalt  }
0x72: {  	_ =	shalt  }
0x73: {  	_ =	shalt  }
0x74: {  	_ =	shalt  }
0x75: {  	_ =	shalt  }
0x76: {  	_ =	shalt  }
0x77: {  	_ =	shalt  }
0x78: {  	_ =	shalt  }
0x79: {  	_ =	shalt  }
0x7a: {  	_ =	shalt  }
0x7b: {  	_ =	shalt  }
0x7c: {  	_ =	shalt  }
0x7d: {  	_ =	shalt  }
0x7e: {  	_ =	shalt  }
0x7f: {  	_ =	shalt  }
0x80: {  	_ =	shalt  }
0x81: {  	_ =	shalt  }
0x82: {  	_ =	shalt  }
0x83: {  	_ =	shalt  }
0x84: {  	_ =	shalt  }
0x85: {  	_ =	shalt  }
0x86: {  	_ =	shalt  }
0x87: {  	_ =	shalt  }
.Lfunc_end0:
.L_simem_size_0:
called_computation_lowered:
.L_overlay_start_0:
0x88: {  	s2 =	sld [smem:$0x3FD9]  }
0x89: {  	s3 =	sld [smem:$0x3FFE];
	_ =	sdelay $0x1  }
0x8a: {  	s1 =	srdreg.scid  }
0x8b: {  	s0 =	sand.u32 $0x1, s1  }
0x8c: {  	s17 =	sshll.u32 s0, $0xA;
	s2 =	sadd.s32 s3, s2  }
0x8d: {  	s2 =	sadd.s32 s2, s17  }
0x8e: {  	[smem:$0x3FC6] =	sst s2  }
0x8f: {  	_ = 	snop  }
0x90: {  	s2 =	sld [smem:$0x3FD0];
	(tm) =	ssettm $0x1  }
0x91: {  	s18 =	sld [smem:$0x3FFB];
	_ =	sdelay $0x3  }
0x92: {  	_ =	strace s18  }
0x93: {  	s3 =	sld [smem:$0x3FFC];
	_ =	sdelay $0x3  }
0x94: {  	_ =	strace s3  }
0x95: {  	s3 =	sld [smem:$0x3FFD];
	_ =	sdelay $0x3  }
0x96: {  	_ =	strace s3  }
0x97: {  	_ =	strace $0x8FFFFFFF  }
0x98: {  	s19 =	sld [smem:$0x3FDB];
	_ =	sdelay $0x1  }
0x99: {  	s4 =	simm.s32 $_scs_section_size  }
0x9a: {  	s5 =	simm.s32 $_size__tile_overlayer_lowered;
	s6 =	simm.s32 $_tile_overlayer_lowered  }
0x9b: {  	s22 =	simm.s32 $0x1BFF;
	s21 =	sshll.u32 s6, $0x1;
	s3 =	sadd.s32 s4, s19  }
0x9c: {  	s7 =	simm.s32 $0x0;
	s20 =	sshll.u32 s5, $0x1;
	s5 =	sadd.s32 s21, s3  }
0x9d: {  	[timem:s7], [sflag:s22] =	dma.local [hbm:s5], s20  }
0x9e: {  	_ =	swait.ge [sflag:s22], s20  }
0x9f: {  	s4 =	ssub.s32 $0x0, s20;
	[sflag:s22] =	ssyncset.done $0x0  }
0xa0: {  	[sflag:s22] =	ssyncadd.s32 s4;
	_ =	sdelay $0x1  }
0xa1: {  	s23 =	simm.s32 $0x1B8B  }
0xa2: {  	_ =	swait.ge [sflag:s23], $0x1  }
0xa3: {  	[sflag:s23] =	ssyncset.done $0x0  }
0xa4: {  	s25 =	simm.s32 $0x1B8E;
	s24 =	sld [smem:$0x3FFE];
	[sflag:s23] =	ssyncadd.s32 $0xFFFFFFFF  }
0xa5: {  	s26 =	simm.s32 $execute0_lowered;
	[smem:$0x3FD2] =	sst s25  }
0xa6: {  	s5 =	sshll.u32 s26, $0x1;
	_ =	strace $0x80000046;
	[dreg:$0x1] =	wrdreg $0xFFFFFFFF  }
0xa7: {  	s28 =	simm.s32 $_size_execute0_lowered;
	s3 =	sadd.s32 s3, s5;
	[dreg:$0x0] =	wrdreg $0x0  }
0xa8: {  	s5 =	sshll.u32 s28, $0x1;
	[dreg:$0x2] =	wrdreg s3  }
0xa9: {  	[dreg:$0x3] =	wrdreg s5  }
0xaa: {  	[dreg:$0x4] =	wrdreg $0xC0  }
0xab: {  	_ =	task [dreg:s7], $0x5FFFF  }
0xac: {  	[dreg:$0x1] =	wrdreg $0xFFFFFFFF  }
0xad: {  	[dreg:$0x0] =	wrdreg $0x60  }
0xae: {  	[dreg:$0x2] =	wrdreg s2  }
0xaf: {  	[dreg:$0x3] =	wrdreg s24  }
0xb0: {  	[dreg:$0x4] =	wrdreg $0x9  }
0xb1: {  	_ =	task.clear_ibuf [dreg:s7], $0x5FFFF;
	_ =	strace $0x90000046  }
0xb2: {  	s29 =	simm.s32 $0x9;
	_ =	strace $0x80000048  }
0xb3: {  	_ =	swait.ge [sflag:s29], $0x1  }
0xb4: {  	[sflag:s29] =	ssyncadd.s32 $0xFFFFFFFF  }
0xb5: {  	_ =	strace $0x90000048  }
0xb6: {  	_ =	sfence  }
0xb7: {  	s30 =	sld [smem:$0x0];
	_ =	sdelay $0x2  }
0xb8: {  	s31 =	sshll.u32 s1, $0xD;
	s1 =	sshrl.u32 s1, $0x2  }
0xb9: {  	s3 =	sand.u32 $0x4000, s31;
	s1 =	sadd.s32 s1, s30  }
0xba: {  	s0 =	sor.u32 s3, s0;
	s1 =	sshll.u32 s1, $0x11  }
0xbb: {  	s0 =	sor.u32 s1, s0  }
0xbc: {  	s0 =	sadd.s32 $0x8F2B, s0  }
0xbd: {  	[sflag:s0] =	ssyncadd.remote.s32 $0x1  }
0xbe: {  	_ =	sfence.sel $0xFFFF  }
0xbf: {  	[dreg:$0x0] =	wrdreg $0xFFFFFFFF;
	(pc) =	sbr.abs _section_cstart, $3  }
0xc0: {  	[dreg:$0x1] =	wrdreg $0xFFFFFFFF  }
0xc1: {  	_ =	task.clear_ibuf [dreg:s7], $0x2FFFF;
	_ =	strace $0x9FFFFFFF  }
0xc2: {  	(tm) =	ssettm $0x7FFFFFFF  }
0xc3: {  	_ =	shalt  }
tec
execute0_lowered:
.L_overlay_start_1:
0x0: {  	(tag) =	ssettag $0x1  }
0x1: {  	s4 =	rddreg [dreg:$0x0]  }
0x2: {  	s5 =	rddreg [dreg:$0x1];
	s2 =	simm.s32 $0x0;
	s3 =	srdreg.scid  }
0x3: {  	s1 =	stileid.u32;
	s10 =	simm.s32 $0x0;
	s6 =	sand.u32 $0x1, s3  }
0x4: {  	[smem:$0x7FF] =	sst s2;
	s7 =	sshll.u32 s1, $0xA;
	s8 =	sshll.u32 s6, $0x9  }
0x5: {  	s3 =	sadd.s32 $0x400, s5;
	s6 =	ssub.s32 $0x2, s6;
	s7 =	sor.u32 s8, s7  }
0x6: {  	_ =	strace $0x80000047;
	s9 =	sshrl.u32 s6, $0x1;
	s8 =	sshll.u32 s7, $0x4  }
0x7: {  	s7 =	sshrl.u32 s7, $0x3;
	s6 =	ssub.s32 s6, s9;
	s9 =	simm.s32 $0x200  }
0x8: {  	s5 =	sadd.s32 s8, s5;
	s4 =	sadd.s32 s4, s7;
	s6 =	smax.u32 s6, $0x1  }
0x9: {  	s7 =	simm.s32 $0x2;
	s8 =	simm.s32 $0x1;
	s5 =	sadd.s32 $0xF42A00, s5  }
.LBB2_1:
0xa: {  	[tilespmem:s2], [sflag:$0x2] =	stream.linear.gather [hbm4b:s4+s2], $0x200, $0x38;
	[tilespmem:$0x10200] =	vst v63  }
0xb: {  	_ =	swait.ge [sflag:s7], $0x200  }
0xc: {  	[sflag:s7] =	ssyncset.done $0x0  }
0xd: {  	[sflag:s7] =	ssyncadd.s32 $0xFFFFFE00  }
0xe: {  	v0 =	vld [tilespmem:s2+$0x0];
	_ =	sdelay $0x4  }
0xf: {  	v0 =	vshll.u32 v0, $0x4  }
0x10: {  	(v2sf) =	vpush v0, $0x0  }
0x11: {  	(v2sf) =	vpush v0, $0x1  }
0x12: {  	(v2sf) =	vpush v0, $0x2;
	_ =	sdelay $0x1  }
0x13: {  	(v2sf) =	vpush v0, $0x3;
	_ =	sdelay $0x1  }
0x14: {  	(v2sf) =	vpush v0, $0x4;
	_ =	sdelay $0x1  }
0x15: {  	(v2sf) =	vpush v0, $0x5;
	_ =	sdelay $0x1  }
0x16: {  	(v2sf) =	vpush v0, $0x6  }
0x17: {  	s13 =	simm.s32 $0x280;
	s14 =	simm.s32 $0x380  }
0x18: {  	s15 =	simm.s32 $0x400;
	s16 =	simm.s32 $0x200;
	s17 =	simm.s32 $0x300;
	(v2sf) =	vpush v0, $0x7  }
0x19: {  	s18 =	simm.s32 $0x480;
	s12 =	simm.s32 $0x800;
	s11 =	simm.s32 $0x880  }
0x1a: {  	s19 =	simm.s32 $0x500;
	s20 =	simm.s32 $0x700;
	s21 =	simm.s32 $0x780;
	(v2sf) =	vpush v0, $0x8  }
0x1b: {  	s22 =	simm.s32 $0x600;
	s23 =	simm.s32 $0x680;
	s24 =	spop (v2sf)  }
0x1c: {  	s25 =	simm.s32 $0x580;
	(v2sf) =	vpush v0, $0x9;
	s24 =	sand.u32 $0x1FFFFFF0, s24;
	s26 =	spop (v2sf)  }
0x1d: {  	s24 =	sadd.s32 s3, s24;
	s26 =	sand.u32 $0x1FFFFFF0, s26;
	s28 =	spop (v2sf)  }
0x1e: {  	(v2sf) =	vpush v0, $0xA;
	[tilespmem:s16], [sflag:$0x1] =	stream.linear.gather [hbm4b:s24+s2], $0x80, $0x38;
	[tilespmem:$0x10200] =	vst v63  }
0x1f: {  	s26 =	sadd.s32 s3, s26;
	s28 =	sand.u32 $0x1FFFFFF0, s28;
	s29 =	spop (v2sf)  }
0x20: {  	(v2sf) =	vpush v0, $0xB;
	[tilespmem:s13], [sflag:$0x1] =	stream.linear.gather [hbm4b:s26+s2], $0x80, $0x38;
	[tilespmem:$0x10200] =	vst v63  }
0x21: {  	s30 =	sadd.s32 s3, s28;
	s31 =	sand.u32 $0x1FFFFFF0, s29;
	s0 =	spop (v2sf)  }
0x22: {  	(v2sf) =	vpush v0, $0xC;
	[tilespmem:s17], [sflag:$0x1] =	stream.linear.gather [hbm4b:s30+s2], $0x80, $0x38;
	[tilespmem:$0x10200] =	vst v63  }
0x23: {  	s16 =	sadd.s32 s3, s31;
	s24 =	spop (v2sf);
	s17 =	sand.u32 $0x1FFFFFF0, s0  }
0x24: {  	(v2sf) =	vpush v0, $0xD;
	[tilespmem:s14], [sflag:$0x1] =	stream.linear.gather [hbm4b:s16+s2], $0x80, $0x38;
	[tilespmem:$0x10200] =	vst v63  }
0x25: {  	s28 =	sand.u32 $0x1FFFFFF0, s24;
	s29 =	spop (v2sf);
	s26 =	sadd.s32 s3, s17  }
0x26: {  	(v2sf) =	vpush v0, $0xE;
	[tilespmem:s15], [sflag:$0x1] =	stream.linear.gather [hbm4b:s26+s2], $0x80, $0x38;
	[tilespmem:$0x10200] =	vst v63  }
0x27: {  	s30 =	sadd.s32 s3, s28;
	s31 =	sand.u32 $0x1FFFFFF0, s29;
	s0 =	spop (v2sf)  }
0x28: {  	(v2sf) =	vpush v0, $0xF;
	[tilespmem:s18], [sflag:$0x1] =	stream.linear.gather [hbm4b:s30+s2], $0x80, $0x38;
	[tilespmem:$0x10200] =	vst v63  }
0x29: {  	s17 =	spop (v2sf);
	s14 =	sadd.s32 s3, s31;
	s16 =	sand.u32 $0x1FFFFFF0, s0  }
0x2a: {  	[tilespmem:s19], [sflag:$0x1] =	stream.linear.gather [hbm4b:s14+s2], $0x80, $0x38;
	[tilespmem:$0x10200] =	vst v63  }
0x2b: {  	s18 =	sadd.s32 s3, s16;
	s19 =	sand.u32 $0x1FFFFFF0, s17;
	s24 =	spop (v2sf)  }
0x2c: {  	[tilespmem:s25], [sflag:$0x1] =	stream.linear.gather [hbm4b:s18+s2], $0x80, $0x38;
	[tilespmem:$0x10200] =	vst v63  }
0x2d: {  	s26 =	sadd.s32 s3, s19;
	s28 =	sand.u32 $0x1FFFFFF0, s24;
	s29 =	spop (v2sf)  }
0x2e: {  	[tilespmem:s22], [sflag:$0x1] =	stream.linear.gather [hbm4b:s26+s2], $0x80, $0x38;
	[tilespmem:$0x10200] =	vst v63  }
0x2f: {  	s30 =	sadd.s32 s3, s28;
	s31 =	sand.u32 $0x1FFFFFF0, s29;
	s0 =	spop (v2sf)  }
0x30: {  	[tilespmem:s23], [sflag:$0x1] =	stream.linear.gather [hbm4b:s30+s2], $0x80, $0x38;
	[tilespmem:$0x10200] =	vst v63  }
0x31: {  	s14 =	sadd.s32 s3, s31;
	s15 =	sand.u32 $0x1FFFFFF0, s0;
	s16 =	spop (v2sf)  }
0x32: {  	[tilespmem:s20], [sflag:$0x1] =	stream.linear.gather [hbm4b:s14+s2], $0x80, $0x38;
	[tilespmem:$0x10200] =	vst v63  }
0x33: {  	s17 =	sadd.s32 s3, s15;
	s18 =	sand.u32 $0x1FFFFFF0, s16;
	s19 =	spop (v2sf)  }
0x34: {  	[tilespmem:s21], [sflag:$0x1] =	stream.linear.gather [hbm4b:s17+s2], $0x80, $0x38;
	[tilespmem:$0x10200] =	vst v63  }
0x35: {  	s22 =	spop (v2sf);
	s20 =	sadd.s32 s3, s18;
	s21 =	sand.u32 $0x1FFFFFF0, s19  }
0x36: {  	[tilespmem:s12], [sflag:$0x1] =	stream.linear.gather [hbm4b:s20+s2], $0x80, $0x38;
	[tilespmem:$0x10200] =	vst v63  }
0x37: {  	s24 =	sand.u32 $0x1FFFFFF0, s22;
	s25 =	spop (v2sf);
	s23 =	sadd.s32 s3, s21  }
0x38: {  	[tilespmem:s11], [sflag:$0x1] =	stream.linear.gather [hbm4b:s23+s2], $0x80, $0x38;
	[tilespmem:$0x10200] =	vst v63  }
0x39: {  	s26 =	simm.s32 $0x900;
	s28 =	sadd.s32 s3, s24;
	s29 =	sand.u32 $0x1FFFFFF0, s25  }
0x3a: {  	[tilespmem:s26], [sflag:$0x1] =	stream.linear.gather [hbm4b:s28+s2], $0x80, $0x38;
	[tilespmem:$0x10200] =	vst v63  }
0x3b: {  	s30 =	simm.s32 $0x980;
	s31 =	sadd.s32 s3, s29  }
0x3c: {  	[tilespmem:s30], [sflag:$0x1] =	stream.linear.gather [hbm4b:s31+s2], $0x80, $0x38;
	[tilespmem:$0x10200] =	vst v63  }
0x3d: {  	_ =	swait.ge [sflag:s8], $0x80  }
0x3e: {  	[sflag:s8] =	ssyncset.done $0x0  }
0x3f: {  	[sflag:s8] =	ssyncadd.s32 $0xFFFFFF80  }
0x40: {  	_ =	swait.ge [sflag:s8], $0x80  }
0x41: {  	[sflag:s8] =	ssyncset.done $0x0  }
0x42: {  	[sflag:s8] =	ssyncadd.s32 $0xFFFFFF80  }
0x43: {  	_ =	swait.ge [sflag:s8], $0x80  }
0x44: {  	[sflag:s8] =	ssyncset.done $0x0  }
0x45: {  	[sflag:s8] =	ssyncadd.s32 $0xFFFFFF80  }
0x46: {  	_ =	swait.ge [sflag:s8], $0x80  }
0x47: {  	[sflag:s8] =	ssyncset.done $0x0  }
0x48: {  	[sflag:s8] =	ssyncadd.s32 $0xFFFFFF80  }
0x49: {  	_ =	swait.ge [sflag:s8], $0x80  }
0x4a: {  	[sflag:s8] =	ssyncset.done $0x0  }
0x4b: {  	[sflag:s8] =	ssyncadd.s32 $0xFFFFFF80  }
0x4c: {  	_ =	swait.ge [sflag:s8], $0x80  }
0x4d: {  	[sflag:s8] =	ssyncset.done $0x0  }
0x4e: {  	[sflag:s8] =	ssyncadd.s32 $0xFFFFFF80  }
0x4f: {  	_ =	swait.ge [sflag:s8], $0x80  }
0x50: {  	[sflag:s8] =	ssyncset.done $0x0  }
0x51: {  	[sflag:s8] =	ssyncadd.s32 $0xFFFFFF80  }
0x52: {  	_ =	swait.ge [sflag:s8], $0x80  }
0x53: {  	[sflag:s8] =	ssyncset.done $0x0  }
0x54: {  	[sflag:s8] =	ssyncadd.s32 $0xFFFFFF80  }
0x55: {  	_ =	swait.ge [sflag:s8], $0x80  }
0x56: {  	[sflag:s8] =	ssyncset.done $0x0  }
0x57: {  	[sflag:s8] =	ssyncadd.s32 $0xFFFFFF80  }
0x58: {  	_ =	swait.ge [sflag:s8], $0x80  }
0x59: {  	[sflag:s8] =	ssyncset.done $0x0  }
0x5a: {  	[sflag:s8] =	ssyncadd.s32 $0xFFFFFF80  }
0x5b: {  	_ =	swait.ge [sflag:s8], $0x80  }
0x5c: {  	[sflag:s8] =	ssyncset.done $0x0  }
0x5d: {  	[sflag:s8] =	ssyncadd.s32 $0xFFFFFF80  }
0x5e: {  	_ =	swait.ge [sflag:s8], $0x80  }
0x5f: {  	[sflag:s8] =	ssyncset.done $0x0  }
0x60: {  	[sflag:s8] =	ssyncadd.s32 $0xFFFFFF80  }
0x61: {  	_ =	swait.ge [sflag:s8], $0x80  }
0x62: {  	[sflag:s8] =	ssyncset.done $0x0  }
0x63: {  	[sflag:s8] =	ssyncadd.s32 $0xFFFFFF80  }
0x64: {  	s12 =	simm.s32 $0x0;
	s11 =	simm.s32 $0x2000;
	_ =	swait.ge [sflag:s8], $0x80  }
.LBB2_2:
0x65: {  	p0 =	sne.s32 s11, $0x3E000;
	[sflag:s8] =	ssyncset.done $0x0;
	s12 =	sadd.s32 $0x10, s12  }
0x66: {  	s13 =	smov.u32 s11;
	s11 =	sadd.s32 $0x2000, s11;
	[sflag:s8] =	ssyncadd.s32 $0xFFFFFF80  }
0x67: {  	_ =	swait.ge [sflag:s8], $0x80  }
0x68: {  	[sflag:s8] =	ssyncset.done $0x0  }
0x69: {  	[sflag:s8] =	ssyncadd.s32 $0xFFFFFF80  }
0x6a: {  	_ =	swait.ge [sflag:s8], $0x80  }
0x6b: {  	[sflag:s8] =	ssyncset.done $0x0  }
0x6c: {  	[sflag:s8] =	ssyncadd.s32 $0xFFFFFF80  }
0x6d: {  	v0 =	vld [tilespmem:s12+$0x0];
	_ =	sdelay $0x4  }
0x6e: {  	v0 =	vshll.u32 v0, $0x4  }
0x6f: {  	(v2sf) =	vpush v0, $0x0  }
0x70: {  	(v2sf) =	vpush v0, $0x1  }
0x71: {  	(v2sf) =	vpush v0, $0x2;
	_ =	sdelay $0x1  }
0x72: {  	(v2sf) =	vpush v0, $0x3;
	_ =	sdelay $0x1  }
0x73: {  	(v2sf) =	vpush v0, $0x4;
	_ =	sdelay $0x1  }
0x74: {  	(v2sf) =	vpush v0, $0x5  }
0x75: {  	s13 =	sshra.s32 s13, $0x2  }
0x76: {  	s21 =	sadd.s32 $0x280, s13;
	s22 =	sadd.s32 $0x380, s13;
	s23 =	sadd.s32 $0x400, s13;
	(v2sf) =	vpush v0, $0x6  }
0x77: {  	s24 =	sadd.s32 $0x200, s13;
	s25 =	sadd.s32 $0x300, s13  }
0x78: {  	s26 =	sadd.s32 $0x480, s13;
	(v2sf) =	vpush v0, $0x7  }
0x79: {  	s16 =	sadd.s32 $0x800, s13;
	s15 =	sadd.s32 $0x880, s13;
	s14 =	sadd.s32 $0x980, s13  }
0x7a: {  	s28 =	sadd.s32 $0x500, s13;
	s18 =	sadd.s32 $0x700, s13;
	s17 =	sadd.s32 $0x780, s13;
	(v2sf) =	vpush v0, $0x8  }
0x7b: {  	s20 =	sadd.s32 $0x600, s13;
	s19 =	sadd.s32 $0x680, s13;
	s29 =	spop (v2sf)  }
0x7c: {  	s30 =	sadd.s32 $0x580, s13;
	s29 =	sand.u32 $0x1FFFFFF0, s29;
	s31 =	spop (v2sf);
	(v2sf) =	vpush v0, $0x9  }
0x7d: {  	s29 =	sadd.s32 s3, s29;
	s31 =	sand.u32 $0x1FFFFFF0, s31;
	s0 =	spop (v2sf)  }
0x7e: {  	[tilespmem:s24], [sflag:$0x1] =	stream.linear.gather [hbm4b:s29+s2], $0x80, $0x38;
	(v2sf) =	vpush v0, $0xA;
	[tilespmem:$0x10200] =	vst v63  }
0x7f: {  	s24 =	sadd.s32 s3, s31;
	s0 =	sand.u32 $0x1FFFFFF0, s0;
	s29 =	spop (v2sf)  }
0x80: {  	[tilespmem:s21], [sflag:$0x1] =	stream.linear.gather [hbm4b:s24+s2], $0x80, $0x38;
	(v2sf) =	vpush v0, $0xB;
	[tilespmem:$0x10200] =	vst v63  }
0x81: {  	s0 =	sadd.s32 s3, s0;
	s21 =	sand.u32 $0x1FFFFFF0, s29;
	s24 =	spop (v2sf)  }
0x82: {  	[tilespmem:s25], [sflag:$0x1] =	stream.linear.gather [hbm4b:s0+s2], $0x80, $0x38;
	(v2sf) =	vpush v0, $0xC;
	[tilespmem:$0x10200] =	vst v63  }
0x83: {  	s0 =	sadd.s32 s3, s21;
	s21 =	sand.u32 $0x1FFFFFF0, s24;
	s24 =	spop (v2sf)  }
0x84: {  	[tilespmem:s22], [sflag:$0x1] =	stream.linear.gather [hbm4b:s0+s2], $0x80, $0x38;
	(v2sf) =	vpush v0, $0xD;
	[tilespmem:$0x10200] =	vst v63  }
0x85: {  	s0 =	sadd.s32 s3, s21;
	s21 =	sand.u32 $0x1FFFFFF0, s24;
	s22 =	spop (v2sf)  }
0x86: {  	[tilespmem:s23], [sflag:$0x1] =	stream.linear.gather [hbm4b:s0+s2], $0x80, $0x38;
	(v2sf) =	vpush v0, $0xE;
	[tilespmem:$0x10200] =	vst v63  }
0x87: {  	s0 =	sadd.s32 s3, s21;
	s21 =	sand.u32 $0x1FFFFFF0, s22;
	s22 =	spop (v2sf)  }
0x88: {  	[tilespmem:s26], [sflag:$0x1] =	stream.linear.gather [hbm4b:s0+s2], $0x80, $0x38;
	(v2sf) =	vpush v0, $0xF;
	[tilespmem:$0x10200] =	vst v63  }
0x89: {  	s0 =	sadd.s32 s3, s21;
	s21 =	sand.u32 $0x1FFFFFF0, s22;
	s22 =	spop (v2sf)  }
0x8a: {  	[tilespmem:s28], [sflag:$0x1] =	stream.linear.gather [hbm4b:s0+s2], $0x80, $0x38;
	[tilespmem:$0x10200] =	vst v63  }
0x8b: {  	s0 =	sadd.s32 s3, s21;
	s21 =	sand.u32 $0x1FFFFFF0, s22;
	s22 =	spop (v2sf)  }
0x8c: {  	[tilespmem:s30], [sflag:$0x1] =	stream.linear.gather [hbm4b:s0+s2], $0x80, $0x38;
	[tilespmem:$0x10200] =	vst v63  }
0x8d: {  	s0 =	sadd.s32 s3, s21;
	s21 =	sand.u32 $0x1FFFFFF0, s22;
	s22 =	spop (v2sf)  }
0x8e: {  	[tilespmem:s20], [sflag:$0x1] =	stream.linear.gather [hbm4b:s0+s2], $0x80, $0x38;
	[tilespmem:$0x10200] =	vst v63  }
0x8f: {  	s0 =	sadd.s32 s3, s21;
	s20 =	sand.u32 $0x1FFFFFF0, s22;
	s21 =	spop (v2sf)  }
0x90: {  	[tilespmem:s19], [sflag:$0x1] =	stream.linear.gather [hbm4b:s0+s2], $0x80, $0x38;
	[tilespmem:$0x10200] =	vst v63  }
0x91: {  	s0 =	sadd.s32 s3, s20;
	s19 =	sand.u32 $0x1FFFFFF0, s21;
	s20 =	spop (v2sf)  }
0x92: {  	[tilespmem:s18], [sflag:$0x1] =	stream.linear.gather [hbm4b:s0+s2], $0x80, $0x38;
	[tilespmem:$0x10200] =	vst v63  }
0x93: {  	s0 =	sadd.s32 s3, s19;
	s18 =	sand.u32 $0x1FFFFFF0, s20;
	s19 =	spop (v2sf)  }
0x94: {  	[tilespmem:s17], [sflag:$0x1] =	stream.linear.gather [hbm4b:s0+s2], $0x80, $0x38;
	[tilespmem:$0x10200] =	vst v63  }
0x95: {  	s0 =	sadd.s32 s3, s18;
	s17 =	sand.u32 $0x1FFFFFF0, s19;
	s18 =	spop (v2sf)  }
0x96: {  	[tilespmem:s16], [sflag:$0x1] =	stream.linear.gather [hbm4b:s0+s2], $0x80, $0x38;
	[tilespmem:$0x10200] =	vst v63  }
0x97: {  	s0 =	sadd.s32 s3, s17;
	s16 =	sand.u32 $0x1FFFFFF0, s18;
	s17 =	spop (v2sf)  }
0x98: {  	[tilespmem:s15], [sflag:$0x1] =	stream.linear.gather [hbm4b:s0+s2], $0x80, $0x38;
	[tilespmem:$0x10200] =	vst v63  }
0x99: {  	s0 =	sadd.s32 $0x900, s13;
	s13 =	sadd.s32 s3, s16;
	s15 =	sand.u32 $0x1FFFFFF0, s17  }
0x9a: {  	[tilespmem:s0], [sflag:$0x1] =	stream.linear.gather [hbm4b:s13+s2], $0x80, $0x38;
	[tilespmem:$0x10200] =	vst v63  }
0x9b: {  	s0 =	sadd.s32 s3, s15  }
0x9c: {  	[tilespmem:s14], [sflag:$0x1] =	stream.linear.gather [hbm4b:s0+s2], $0x80, $0x38;
	[tilespmem:$0x10200] =	vst v63  }
0x9d: {  	_ =	swait.ge [sflag:s8], $0x80  }
0x9e: {  	[sflag:s8] =	ssyncset.done $0x0  }
0x9f: {  	[sflag:s8] =	ssyncadd.s32 $0xFFFFFF80  }
0xa0: {  	_ =	swait.ge [sflag:s8], $0x80  }
0xa1: {  	[sflag:s8] =	ssyncset.done $0x0  }
0xa2: {  	[sflag:s8] =	ssyncadd.s32 $0xFFFFFF80  }
0xa3: {  	_ =	swait.ge [sflag:s8], $0x80  }
0xa4: {  	[sflag:s8] =	ssyncset.done $0x0  }
0xa5: {  	[sflag:s8] =	ssyncadd.s32 $0xFFFFFF80  }
0xa6: {  	_ =	swait.ge [sflag:s8], $0x80  }
0xa7: {  	[sflag:s8] =	ssyncset.done $0x0  }
0xa8: {  	[sflag:s8] =	ssyncadd.s32 $0xFFFFFF80  }
0xa9: {  	_ =	swait.ge [sflag:s8], $0x80  }
0xaa: {  	[sflag:s8] =	ssyncset.done $0x0  }
0xab: {  	[sflag:s8] =	ssyncadd.s32 $0xFFFFFF80  }
0xac: {  	_ =	swait.ge [sflag:s8], $0x80  }
0xad: {  	[sflag:s8] =	ssyncset.done $0x0  }
0xae: {  	[sflag:s8] =	ssyncadd.s32 $0xFFFFFF80  }
0xaf: {  	_ =	swait.ge [sflag:s8], $0x80  }
0xb0: {  	[sflag:s8] =	ssyncset.done $0x0  }
0xb1: {  	[sflag:s8] =	ssyncadd.s32 $0xFFFFFF80  }
0xb2: {  	_ =	swait.ge [sflag:s8], $0x80  }
0xb3: {  	[sflag:s8] =	ssyncset.done $0x0  }
0xb4: {  	[sflag:s8] =	ssyncadd.s32 $0xFFFFFF80  }
0xb5: {  	_ =	swait.ge [sflag:s8], $0x80  }
0xb6: {  	[sflag:s8] =	ssyncset.done $0x0  }
0xb7: {  	[sflag:s8] =	ssyncadd.s32 $0xFFFFFF80  }
0xb8: {  	_ =	swait.ge [sflag:s8], $0x80  }
0xb9: {  	[sflag:s8] =	ssyncset.done $0x0  }
0xba: {  	[sflag:s8] =	ssyncadd.s32 $0xFFFFFF80  }
0xbb: {  	_ =	swait.ge [sflag:s8], $0x80  }
0xbc: {  	[sflag:s8] =	ssyncset.done $0x0  }
0xbd: {  	[sflag:s8] =	ssyncadd.s32 $0xFFFFFF80  }
0xbe: {  	_ =	swait.ge [sflag:s8], $0x80  }
0xbf: {  	[sflag:s8] =	ssyncset.done $0x0  }
.Ltmp0:
0xc0: {  	[sflag:s8] =	ssyncadd.s32 $0xFFFFFF80;
	(pc) =	sbr.rel @p0 .LBB2_2-.Ltmp0, $4  }
0xc1: {  	_ =	swait.ge [sflag:s8], $0x80  }
0xc2: {  	[sflag:s8] =	ssyncset.done $0x0  }
0xc3: {  	[sflag:s8] =	ssyncadd.s32 $0xFFFFFF80  }
0xc4: {  	_ =	swait.ge [sflag:s8], $0x80  }
0xc5: {  	[sflag:s8] =	ssyncset.done $0x0  }
0xc6: {  	[sflag:s8] =	ssyncadd.s32 $0xFFFFFF80  }
0xc7: {  	_ =	swait.ge [sflag:s8], $0x80  }
0xc8: {  	[sflag:s8] =	ssyncset.done $0x0  }
0xc9: {  	[sflag:s8] =	ssyncadd.s32 $0xFFFFFF80  }
0xca: {  	s10 =	sadd.s32 $0x1, s10;
	_ =	swait.ge [sflag:s8], $0x80  }
0xcb: {  	p0 =	sne.s32 s10, s6;
	[sflag:s8] =	ssyncset.done $0x0  }
.Ltmp1:
0xcc: {  	[sflag:s8] =	ssyncadd.s32 $0xFFFFFF80;
	(pc) =	sbr.rel @p0 .LBB2_1-.Ltmp1, $4  }
0xcd: {  	[hbm4b:s5+s2] =	stream.linear.scatter [tilespmem:s9], [sflag:$0x2], $0x10000, $0x38;
	[tilespmem:$0x10200] =	vst v63  }
0xce: {  	_ =	swait.ge [sflag:s7], $0x10000  }
0xcf: {  	[sflag:s7] =	ssyncset.done $0x0  }
0xd0: {  	[sflag:s7] =	ssyncadd.s32 $0xFFFF0000  }
0xd1: {  	_ =	sfence.sel $0x180000  }
0xd2: {  	[bflag:$0x0] =	sbarrier.arrive $0xFFFF  }
0xd3: {  	_ =	strace $0x90000047  }
0xd4: {  	[bflag:$0x2] =	sbarrier.arrive $0xFFFF  }
0xd5: {  	p0 =	sne.s32 s1, $0x0;
	s0 =	rddreg [dreg:$0x2]  }
0xd6: {  	s0 =	sadd.s32 @!p0 $0x100000, s0  }
0xd7: {  	[sflag:s0] =	ssyncadd.tile.s32 @!p0 $0x1;
	_ =	shalt  }
.Lfunc_end2:
_tile_overlayer_lowered:
.L_overlay_start_2:
0xd8: {  	(tag) =	ssettag $0x2  }
0xd9: {  	s0 =	rddreg [dreg:$0x0];
	s2 =	stileid.u32  }
0xda: {  	s1 =	rddreg [dreg:$0x1];
	p0 =	sne.s32 s2, $0x0  }
0xdb: {  	s3 =	rddreg [dreg:$0x2];
	[bflag:$0x3] =	sbarrier.arrive $0xFFFF;
	s2 =	simm.s32 @!p0 $0x1C02  }
0xdc: {  	[timem:s3], [sflag:s2] =	dma.local @!p0 [hbm:s0], s1  }
0xdd: {  	s0 =	simm.s32 @!p0 $0x2  }
0xde: {  	_ =	swait.ge @!p0 [sflag:s0], s1  }
0xdf: {  	s1 =	ssub.s32 @!p0 $0x0, s1;
	[sflag:s0] =	ssyncset.done @!p0 $0x0  }
0xe0: {  	[sflag:s0] =	ssyncadd.s32 @!p0 s1  }
0xe1: {  	[bflag:$0x3] =	sbarrier.arrive $0xFFFF  }
0xe2: {  	_ =	shalt  }

</sc_bundles>
